<compile_context>
chip_gen: v7x
topology: tpu7x:2x2x1
jax: 0.10.2.dev20260603
libtpu: 0.0.44.dev20260713+nightly
codegen_flags: <defaults>
</compile_context>

<pallas_src>
import functools

import jax
import jax.numpy as jnp
from jax import lax
from jax.experimental import pallas as pl
from jax.experimental.pallas import tpu as pltpu
from jax.experimental.pallas import tpu_sc as plsc

_MASK_RATIO = 0.75
_LANES = 16
_FULL_STEPS = 13
_TOTAL_STEPS = 30
_SPLITS = 4


@functools.lru_cache(maxsize=None)
def _build_mask_kernel(B, N, K):
    NW = 32
    rows_per_w = B // NW
    n_chunks = N // _LANES
    q_chunks = n_chunks // _SPLITS
    q_elems = N // _SPLITS
    mesh = plsc.VectorSubcoreMesh(core_axis_name="c", subcore_axis_name="s")

    sentinel = 1 << _TOTAL_STEPS
    cand_types = [pltpu.VMEM((q_elems + _LANES,), jnp.int32)
                  for _ in range(rows_per_w * _SPLITS)]
    comb_types = [pltpu.VMEM((2 * _LANES,), jnp.int32)
                  for _ in range(rows_per_w)]

    @functools.partial(
        pl.kernel,
        mesh=mesh,
        out_type=jax.ShapeDtypeStruct((B, N), jnp.float32),
        compiler_params=pltpu.CompilerParams(needs_layout_passes=False),
        scratch_types=[
            pltpu.VMEM((rows_per_w, N), jnp.float32),
            pltpu.VMEM((rows_per_w, N), jnp.float32),
        ] + cand_types + comb_types,
    )
    def body(noise_hbm, out_hbm, noise_v, out_v, *scratch):
        cand = [scratch[r * _SPLITS:(r + 1) * _SPLITS]
                for r in range(rows_per_w)]
        comb = scratch[rows_per_w * _SPLITS:]
        wid = lax.axis_index("s") * 2 + lax.axis_index("c")
        base = wid * rows_per_w
        pltpu.sync_copy(noise_hbm.at[pl.ds(base, rows_per_w)], noise_v)

        def chunk(r, c):
            return plsc.bitcast(noise_v[r, pl.ds(c * _LANES, _LANES)],
                                jnp.int32)

        def pcnt(m):
            return plsc.all_reduce_population_count(m)

        zero16 = jnp.zeros((_LANES,), jnp.int32)
        sent16 = jnp.full((_LANES,), sentinel, jnp.int32)
        rows = range(rows_per_w)
        quarters = range(_SPLITS)

        def full_step(i, carry):
            lo, hi, cb = [list(t) for t in carry]
            mid = [lo[r] + ((hi[r] - lo[r]) >> 1) for r in rows]

            def cbody(c, accs):
                out = []
                for r in rows:
                    a = accs[r]
                    for u in range(4):
                        a = a + pcnt(chunk(r, c * 4 + u) <= mid[r])
                    out.append(a)
                return tuple(out)

            acc = lax.fori_loop(0, n_chunks // 4, cbody,
                                tuple(zero16 for _ in rows))
            for r in rows:
                ge = acc[r] >= K
                lo[r] = jnp.where(ge, lo[r], mid[r] + 1)
                hi[r] = jnp.where(ge, mid[r], hi[r])
                cb[r] = jnp.where(ge, cb[r], acc[r])
            return (tuple(lo), tuple(hi), tuple(cb))

        with jax.named_scope("p1_bisect_full"):
            init = (tuple(zero16 for _ in rows),
                    tuple(jnp.full((_LANES,), sentinel - 1, jnp.int32)
                          for _ in rows),
                    tuple(zero16 for _ in rows))
            lo, hi, cb = [list(t) for t in lax.fori_loop(
                0, _FULL_STEPS, full_step, init)]

        with jax.named_scope("p2_compact"):
            c0 = [cb[r] for r in rows]

            def compact_body(c, offs):
                out = []
                for r in rows:
                    for q in quarters:
                        k = chunk(r, q * q_chunks + c)
                        m = (k >= lo[r]) & (k <= hi[r])
                        o = offs[r * _SPLITS + q]
                        pc = pcnt(m)[0]

                        @pl.when(pc > 0)
                        def _(k=k, m=m, o=o, r=r, q=q):
                            plsc.store_compressed(
                                cand[r][q].at[pl.ds(o, _LANES)], k, mask=m)

                        out.append(o + pc)
                return tuple(out)

            off_flat = lax.fori_loop(
                0, q_chunks, compact_body,
                tuple(jnp.int32(0) for _ in range(rows_per_w * _SPLITS)))
            off = [[off_flat[r * _SPLITS + q] for q in quarters]
                   for r in rows]
            for r in rows:
                for q in quarters:
                    cand[r][q][pl.ds(off[r][q], _LANES)] = sent16

        with jax.named_scope("p3_select"):
            msum = [functools.reduce(lambda a, b: a + b,
                                     [off[r][q] for q in quarters])
                    for r in rows]
            all_small = (msum[0] <= _LANES) if rows_per_w else None
            for r in rows:
                if r:
                    all_small = all_small & (msum[r] <= _LANES)
            lane = lax.iota(jnp.int32, _LANES)

            def sorted_path(c0s):
                vstars, cbs = [], []
                for r in rows:
                    kw = [cand[r][q][pl.ds(0, _LANES)] for q in quarters]
                    oc = jnp.int32(0)
                    for q in quarters:
                        m = kw[q] < sent16
                        plsc.store_compressed(
                            comb[r].at[pl.ds(oc, _LANES)], kw[q], mask=m)
                        oc = oc + pcnt(m)[0]
                    comb[r][pl.ds(oc, _LANES)] = sent16
                    kall = comb[r][pl.ds(0, _LANES)]
                    ks, _ = plsc.sort_key_val(kall, kall)
                    rprime = K - c0s[r]
                    sel = jnp.where(lane < rprime, ks, 0)
                    vstar = jnp.full((_LANES,), jnp.max(sel), jnp.int32)
                    cbr = c0s[r] + pcnt(kall < vstar)
                    vstars.append(vstar)
                    cbs.append(cbr)
                return tuple(vstars), tuple(cbs)

            def slow_path(c0s):
                nc = off[0][0]
                for r in rows:
                    for q in quarters:
                        if r or q:
                            nc = jnp.maximum(nc, off[r][q])
                nc = (nc + _LANES - 1) // _LANES
                lob = [lo[r] for r in rows]
                hib = [hi[r] for r in rows]

                def step(i, carry):
                    lob, hib, cbs = [list(t) for t in carry]
                    mid = [lob[r] + ((hib[r] - lob[r]) >> 1) for r in rows]

                    def wbody(j, accs):
                        out = []
                        for r in rows:
                            a = accs[r]
                            for q in quarters:
                                kw = cand[r][q][pl.ds(j * _LANES, _LANES)]
                                a = a + pcnt(kw <= mid[r])
                            out.append(a)
                        return tuple(out)

                    accs = lax.fori_loop(0, nc, wbody,
                                         tuple(zero16 for _ in rows))
                    for r in rows:
                        cnt = c0s[r] + accs[r]
                        ge = cnt >= K
                        lob[r] = jnp.where(ge, lob[r], mid[r] + 1)
                        hib[r] = jnp.where(ge, mid[r], hib[r])
                        cbs[r] = jnp.where(ge, cbs[r], cnt)
                    return (tuple(lob), tuple(hib), tuple(cbs))

                lob, _, cbs = lax.fori_loop(0, _TOTAL_STEPS - _FULL_STEPS,
                                            step,
                                            (tuple(lob), tuple(hib),
                                             tuple(c0s)))
                return tuple(lob), cbs

            vstar, cb = lax.cond(all_small, sorted_path, slow_path,
                                 tuple(c0))

        rem = [K - cb[r] for r in rows]

        with jax.named_scope("p4_mask"):
            def mask_body(c, carries):
                out = []
                for r in rows:
                    cy = carries[r]
                    for u in range(2):
                        k = chunk(r, c * 2 + u)
                        eq = k == vstar[r]
                        eqi = eq.astype(jnp.int32)
                        excl = jnp.cumsum(eqi) - eqi + cy
                        vis = (k < vstar[r]) | (eq & (excl < rem[r]))
                        out_v[r, pl.ds((c * 2 + u) * _LANES, _LANES)] = (
                            vis.astype(jnp.float32))
                        cy = cy + pcnt(eq)
                    out.append(cy)
                return tuple(out)

            lax.fori_loop(0, n_chunks // 2, mask_body,
                          tuple(zero16 for _ in rows))

        pltpu.sync_copy(out_v, out_hbm.at[pl.ds(base, rows_per_w)])

    return body


def kernel(x, noise):
    B, N = x.shape[0], x.shape[1]
    num_visible = int(round(N * (1.0 - _MASK_RATIO)))
    num_visible = min(max(1, num_visible), N - 1)
    return _build_mask_kernel(B, N, num_visible)(noise)

# --- scband reference (transcript-rebuilt; emitter-appended) ---
"""Pipeline reference for scband-random-patch-masker-14680198217852 (READ-ONLY COPY).

The authoritative reference and input builder live on the scoring server;
editing this copy changes nothing except your own understanding.
"""

import jax, jax.numpy as jnp
import numpy as np

MASK_RATIO = 0.75

def setup_inputs(seed: int = 0) -> dict:
    key = jax.random.key(seed)
    k1, k2 = jax.random.split(key)
    x = jax.random.normal(k1, (64, 1024, 768), dtype=jnp.float32)
    # noise drives the random masking; materialized here so the reference is deterministic
    noise = jax.random.uniform(k2, (64, 1024), dtype=jnp.float32)
    return {"x": x, "noise": noise}

def reference(x, noise):
    # Training-mode path of RandomPatchMasker.forward
    B, N = x.shape[0], x.shape[1]
    num_visible = int(round(N * (1.0 - MASK_RATIO)))
    num_visible = min(max(1, num_visible), N - 1)
    shuffled_indices = jnp.argsort(noise, axis=1)
    visible_indices = shuffled_indices[:, :num_visible]
    visible_mask = jnp.zeros((B, N), dtype=jnp.float32)
    rows = jnp.arange(B)[:, None]
    visible_mask = visible_mask.at[rows, visible_indices].set(1.0)
    return visible_mask

if __name__ == "__main__":
    import jax
    _d = setup_inputs()
    print(jax.jit(kernel)(*tuple(_d.values())))

</pallas_src>

<mosaic_0001>
#map = affine_map<(d0, d1) -> (0, 0)>
module attributes {stable_mosaic.version = 14 : i64} {
  func.func @body(%arg0: i32, %arg1: i32, %arg2: memref<64x1024xf32, #tpu.memory_space<hbm>>, %arg3: memref<64x1024xf32, #tpu.memory_space<hbm>>, %arg4: memref<2x1024xf32, #tpu.memory_space<vmem>>, %arg5: memref<2x1024xf32, #tpu.memory_space<vmem>>, %arg6: memref<272xi32, #tpu.memory_space<vmem>>, %arg7: memref<272xi32, #tpu.memory_space<vmem>>, %arg8: memref<272xi32, #tpu.memory_space<vmem>>, %arg9: memref<272xi32, #tpu.memory_space<vmem>>, %arg10: memref<272xi32, #tpu.memory_space<vmem>>, %arg11: memref<272xi32, #tpu.memory_space<vmem>>, %arg12: memref<272xi32, #tpu.memory_space<vmem>>, %arg13: memref<272xi32, #tpu.memory_space<vmem>>, %arg14: memref<32xi32, #tpu.memory_space<vmem>>, %arg15: memref<32xi32, #tpu.memory_space<vmem>>) attributes {dimension_semantics = [#tpu.dimension_semantics<core_parallel>, #tpu.dimension_semantics<subcore_parallel>], iteration_bounds = array<i64: 2, 16>, scalar_prefetch = 0 : i64, scratch_operands = 12 : i64, tpu.core_type = #tpu.core_type<sc_vector_subcore>, window_params = [{transform_indices = #map}, {transform_indices = #map}]} {
    %mul3A = arith.constant 2 : i32
    %mul3A_0 = arith.muli %arg1, %mul3A : i32
    %add3A = arith.addi %mul3A_0, %arg0 : i32
    %mul3A_1 = arith.constant 2 : i32
    %mul3A_2 = arith.muli %add3A, %mul3A_1 : i32
    "tpu.region"() ({
      %run_scoped3A = tpu.sem_alloc : memref<!tpu.dma_semaphore, #tpu.memory_space<semaphore_mem>>
      %dma_start3A = arith.constant 0 : i32
      %dma_start3A_66 = tpu.memref_slice %arg2[%mul3A_2, %dma_start3A] : memref<64x1024xf32, #tpu.memory_space<hbm>> -> memref<2x1024xf32, #tpu.memory_space<hbm>>
      %dma_start3A_67 = arith.constant 0 : i32
      %dma_start3A_68 = tpu.memref_slice %arg2[%mul3A_2, %dma_start3A_67] : memref<64x1024xf32, #tpu.memory_space<hbm>> -> memref<2x1024xf32, #tpu.memory_space<hbm>>
      tpu.enqueue_dma source(%dma_start3A_68 : memref<2x1024xf32, #tpu.memory_space<hbm>>) target(%arg4 : memref<2x1024xf32, #tpu.memory_space<vmem>>) target_semaphore(%run_scoped3A : memref<!tpu.dma_semaphore, #tpu.memory_space<semaphore_mem>>)
      %dma_wait3A = arith.constant 0 : i32
      %dma_wait3A_69 = tpu.memref_slice %arg2[%mul3A_2, %dma_wait3A] : memref<64x1024xf32, #tpu.memory_space<hbm>> -> memref<2x1024xf32, #tpu.memory_space<hbm>>
      %dma_wait3A_70 = arith.constant 0 : i32
      %dma_wait3A_71 = tpu.memref_slice %arg2[%mul3A_2, %dma_wait3A_70] : memref<64x1024xf32, #tpu.memory_space<hbm>> -> memref<2x1024xf32, #tpu.memory_space<hbm>>
      tpu.wait_dma2 semaphore(%run_scoped3A : memref<!tpu.dma_semaphore, #tpu.memory_space<semaphore_mem>>) src(%dma_wait3A_71 : memref<2x1024xf32, #tpu.memory_space<hbm>>) dst(%arg4 : memref<2x1024xf32, #tpu.memory_space<vmem>>)
      tpu.yield
    }) : () -> ()
    %broadcast_in_dim3A = arith.constant 0 : i32
    %broadcast_in_dim3A_3 = vector.broadcast %broadcast_in_dim3A : i32 to vector<16xi32>
    %broadcast_in_dim3A_4 = arith.constant 1073741824 : i32
    %broadcast_in_dim3A_5 = vector.broadcast %broadcast_in_dim3A_4 : i32 to vector<16xi32>
    %broadcast_in_dim3A_6 = arith.constant 1073741823 : i32
    "tpu.trace_start"() <{level = 10 : i32, message = "p1_bisect_full"}> : () -> ()
    %broadcast_in_dim3A_7 = vector.broadcast %broadcast_in_dim3A_6 : i32 to vector<16xi32>
    %broadcast_in_dim3A_8 = arith.constant 1073741823 : i32
    %broadcast_in_dim3A_9 = vector.broadcast %broadcast_in_dim3A_8 : i32 to vector<16xi32>
    %scan3A = arith.constant 0 : i32
    %scan3A_10 = arith.constant 13 : i32
    %scan3A_11 = arith.addi %scan3A, %scan3A_10 : i32
    %scan3A_12 = arith.constant 1 : i32
    %scan3A_13:6 = scf.for %scan3A_66 = %scan3A to %scan3A_11 step %scan3A_12 iter_args(%scan3A_67 = %broadcast_in_dim3A_3, %scan3A_68 = %broadcast_in_dim3A_3, %scan3A_69 = %broadcast_in_dim3A_7, %scan3A_70 = %broadcast_in_dim3A_9, %scan3A_71 = %broadcast_in_dim3A_3, %scan3A_72 = %broadcast_in_dim3A_3) -> (vector<16xi32>, vector<16xi32>, vector<16xi32>, vector<16xi32>, vector<16xi32>, vector<16xi32>)  : i32 {
      %sub3A_73 = arith.subi %scan3A_69, %scan3A_67 : vector<16xi32>
      %shift_right_arithmetic3A = arith.constant 1 : i32
      %shift_right_arithmetic3A_74 = vector.broadcast %shift_right_arithmetic3A : i32 to vector<16xi32>
      %shift_right_arithmetic3A_75 = arith.shrsi %sub3A_73, %shift_right_arithmetic3A_74 : vector<16xi32>
      %add3A_76 = arith.addi %scan3A_67, %shift_right_arithmetic3A_75 : vector<16xi32>
      %sub3A_77 = arith.subi %scan3A_70, %scan3A_68 : vector<16xi32>
      %shift_right_arithmetic3A_78 = arith.constant 1 : i32
      %shift_right_arithmetic3A_79 = vector.broadcast %shift_right_arithmetic3A_78 : i32 to vector<16xi32>
      %shift_right_arithmetic3A_80 = arith.shrsi %sub3A_77, %shift_right_arithmetic3A_79 : vector<16xi32>
      %add3A_81 = arith.addi %scan3A_68, %shift_right_arithmetic3A_80 : vector<16xi32>
      %scan3A_82 = arith.constant 0 : i32
      %scan3A_83 = arith.constant 16 : i32
      %scan3A_84 = arith.addi %scan3A_82, %scan3A_83 : i32
      %scan3A_85 = arith.constant 1 : i32
      %scan3A_86:2 = scf.for %scan3A_104 = %scan3A_82 to %scan3A_84 step %scan3A_85 iter_args(%scan3A_105 = %broadcast_in_dim3A_3, %scan3A_106 = %broadcast_in_dim3A_3) -> (vector<16xi32>, vector<16xi32>)  : i32 {
        %mul3A_107 = arith.constant 4 : i32
        %mul3A_108 = arith.muli %scan3A_104, %mul3A_107 : i32
        %add3A_109 = arith.constant 0 : i32
        %add3A_110 = arith.addi %mul3A_108, %add3A_109 : i32
        %mul3A_111 = arith.constant 16 : i32
        %mul3A_112 = arith.muli %add3A_110, %mul3A_111 : i32
        %get3A = arith.constant 0 : i32
        %get3A_113 = arith.index_cast %get3A : i32 to index
        %get3A_114 = arith.index_cast %mul3A_112 : i32 to index
        %get3A_115 = tpu.vector_load %arg4[%get3A_113, %get3A_114] {strides = array<i32>} : memref<2x1024xf32, #tpu.memory_space<vmem>>, vector<16xf32>,
        %bitcast3A = vector.bitcast %get3A_115 : vector<16xf32> to vector<16xi32>
        %le3A_116 = arith.cmpi sle, %bitcast3A, %add3A_76 : vector<16xi32>
        %all_reduce_population_count3A = tpu.all_reduce %le3A_116 {dim = 0 : i64, kind = #tpu.reduction_kind<sum>} : vector<16xi1> -> vector<16xi32>
        %add3A_117 = arith.addi %scan3A_105, %all_reduce_population_count3A : vector<16xi32>
        %mul3A_118 = arith.constant 4 : i32
        %mul3A_119 = arith.muli %scan3A_104, %mul3A_118 : i32
        %add3A_120 = arith.constant 1 : i32
        %add3A_121 = arith.addi %mul3A_119, %add3A_120 : i32
        %mul3A_122 = arith.constant 16 : i32
        %mul3A_123 = arith.muli %add3A_121, %mul3A_122 : i32
        %get3A_124 = arith.constant 0 : i32
        %get3A_125 = arith.index_cast %get3A_124 : i32 to index
        %get3A_126 = arith.index_cast %mul3A_123 : i32 to index
        %get3A_127 = tpu.vector_load %arg4[%get3A_125, %get3A_126] {strides = array<i32>} : memref<2x1024xf32, #tpu.memory_space<vmem>>, vector<16xf32>,
        %bitcast3A_128 = vector.bitcast %get3A_127 : vector<16xf32> to vector<16xi32>
        %le3A_129 = arith.cmpi sle, %bitcast3A_128, %add3A_76 : vector<16xi32>
        %all_reduce_population_count3A_130 = tpu.all_reduce %le3A_129 {dim = 0 : i64, kind = #tpu.reduction_kind<sum>} : vector<16xi1> -> vector<16xi32>
        %add3A_131 = arith.addi %add3A_117, %all_reduce_population_count3A_130 : vector<16xi32>
        %mul3A_132 = arith.constant 4 : i32
        %mul3A_133 = arith.muli %scan3A_104, %mul3A_132 : i32
        %add3A_134 = arith.constant 2 : i32
        %add3A_135 = arith.addi %mul3A_133, %add3A_134 : i32
        %mul3A_136 = arith.constant 16 : i32
        %mul3A_137 = arith.muli %add3A_135, %mul3A_136 : i32
        %get3A_138 = arith.constant 0 : i32
        %get3A_139 = arith.index_cast %get3A_138 : i32 to index
        %get3A_140 = arith.index_cast %mul3A_137 : i32 to index
        %get3A_141 = tpu.vector_load %arg4[%get3A_139, %get3A_140] {strides = array<i32>} : memref<2x1024xf32, #tpu.memory_space<vmem>>, vector<16xf32>,
        %bitcast3A_142 = vector.bitcast %get3A_141 : vector<16xf32> to vector<16xi32>
        %le3A_143 = arith.cmpi sle, %bitcast3A_142, %add3A_76 : vector<16xi32>
        %all_reduce_population_count3A_144 = tpu.all_reduce %le3A_143 {dim = 0 : i64, kind = #tpu.reduction_kind<sum>} : vector<16xi1> -> vector<16xi32>
        %add3A_145 = arith.addi %add3A_131, %all_reduce_population_count3A_144 : vector<16xi32>
        %mul3A_146 = arith.constant 4 : i32
        %mul3A_147 = arith.muli %scan3A_104, %mul3A_146 : i32
        %add3A_148 = arith.constant 3 : i32
        %add3A_149 = arith.addi %mul3A_147, %add3A_148 : i32
        %mul3A_150 = arith.constant 16 : i32
        %mul3A_151 = arith.muli %add3A_149, %mul3A_150 : i32
        %get3A_152 = arith.constant 0 : i32
        %get3A_153 = arith.index_cast %get3A_152 : i32 to index
        %get3A_154 = arith.index_cast %mul3A_151 : i32 to index
        %get3A_155 = tpu.vector_load %arg4[%get3A_153, %get3A_154] {strides = array<i32>} : memref<2x1024xf32, #tpu.memory_space<vmem>>, vector<16xf32>,
        %bitcast3A_156 = vector.bitcast %get3A_155 : vector<16xf32> to vector<16xi32>
        %le3A_157 = arith.cmpi sle, %bitcast3A_156, %add3A_76 : vector<16xi32>
        %all_reduce_population_count3A_158 = tpu.all_reduce %le3A_157 {dim = 0 : i64, kind = #tpu.reduction_kind<sum>} : vector<16xi1> -> vector<16xi32>
        %add3A_159 = arith.addi %add3A_145, %all_reduce_population_count3A_158 : vector<16xi32>
        %mul3A_160 = arith.constant 4 : i32
        %mul3A_161 = arith.muli %scan3A_104, %mul3A_160 : i32
        %add3A_162 = arith.constant 0 : i32
        %add3A_163 = arith.addi %mul3A_161, %add3A_162 : i32
        %mul3A_164 = arith.constant 16 : i32
        %mul3A_165 = arith.muli %add3A_163, %mul3A_164 : i32
        %get3A_166 = arith.constant 1 : i32
        %get3A_167 = arith.index_cast %get3A_166 : i32 to index
        %get3A_168 = arith.index_cast %mul3A_165 : i32 to index
        %get3A_169 = tpu.vector_load %arg4[%get3A_167, %get3A_168] {strides = array<i32>} : memref<2x1024xf32, #tpu.memory_space<vmem>>, vector<16xf32>,
        %bitcast3A_170 = vector.bitcast %get3A_169 : vector<16xf32> to vector<16xi32>
        %le3A_171 = arith.cmpi sle, %bitcast3A_170, %add3A_81 : vector<16xi32>
        %all_reduce_population_count3A_172 = tpu.all_reduce %le3A_171 {dim = 0 : i64, kind = #tpu.reduction_kind<sum>} : vector<16xi1> -> vector<16xi32>
        %add3A_173 = arith.addi %scan3A_106, %all_reduce_population_count3A_172 : vector<16xi32>
        %mul3A_174 = arith.constant 4 : i32
        %mul3A_175 = arith.muli %scan3A_104, %mul3A_174 : i32
        %add3A_176 = arith.constant 1 : i32
        %add3A_177 = arith.addi %mul3A_175, %add3A_176 : i32
        %mul3A_178 = arith.constant 16 : i32
        %mul3A_179 = arith.muli %add3A_177, %mul3A_178 : i32
        %get3A_180 = arith.constant 1 : i32
        %get3A_181 = arith.index_cast %get3A_180 : i32 to index
        %get3A_182 = arith.index_cast %mul3A_179 : i32 to index
        %get3A_183 = tpu.vector_load %arg4[%get3A_181, %get3A_182] {strides = array<i32>} : memref<2x1024xf32, #tpu.memory_space<vmem>>, vector<16xf32>,
        %bitcast3A_184 = vector.bitcast %get3A_183 : vector<16xf32> to vector<16xi32>
        %le3A_185 = arith.cmpi sle, %bitcast3A_184, %add3A_81 : vector<16xi32>
        %all_reduce_population_count3A_186 = tpu.all_reduce %le3A_185 {dim = 0 : i64, kind = #tpu.reduction_kind<sum>} : vector<16xi1> -> vector<16xi32>
        %add3A_187 = arith.addi %add3A_173, %all_reduce_population_count3A_186 : vector<16xi32>
        %mul3A_188 = arith.constant 4 : i32
        %mul3A_189 = arith.muli %scan3A_104, %mul3A_188 : i32
        %add3A_190 = arith.constant 2 : i32
        %add3A_191 = arith.addi %mul3A_189, %add3A_190 : i32
        %mul3A_192 = arith.constant 16 : i32
        %mul3A_193 = arith.muli %add3A_191, %mul3A_192 : i32
        %get3A_194 = arith.constant 1 : i32
        %get3A_195 = arith.index_cast %get3A_194 : i32 to index
        %get3A_196 = arith.index_cast %mul3A_193 : i32 to index
        %get3A_197 = tpu.vector_load %arg4[%get3A_195, %get3A_196] {strides = array<i32>} : memref<2x1024xf32, #tpu.memory_space<vmem>>, vector<16xf32>,
        %bitcast3A_198 = vector.bitcast %get3A_197 : vector<16xf32> to vector<16xi32>
        %le3A_199 = arith.cmpi sle, %bitcast3A_198, %add3A_81 : vector<16xi32>
        %all_reduce_population_count3A_200 = tpu.all_reduce %le3A_199 {dim = 0 : i64, kind = #tpu.reduction_kind<sum>} : vector<16xi1> -> vector<16xi32>
        %add3A_201 = arith.addi %add3A_187, %all_reduce_population_count3A_200 : vector<16xi32>
        %mul3A_202 = arith.constant 4 : i32
        %mul3A_203 = arith.muli %scan3A_104, %mul3A_202 : i32
        %add3A_204 = arith.constant 3 : i32
        %add3A_205 = arith.addi %mul3A_203, %add3A_204 : i32
        %mul3A_206 = arith.constant 16 : i32
        %mul3A_207 = arith.muli %add3A_205, %mul3A_206 : i32
        %get3A_208 = arith.constant 1 : i32
        %get3A_209 = arith.index_cast %get3A_208 : i32 to index
        %get3A_210 = arith.index_cast %mul3A_207 : i32 to index
        %get3A_211 = tpu.vector_load %arg4[%get3A_209, %get3A_210] {strides = array<i32>} : memref<2x1024xf32, #tpu.memory_space<vmem>>, vector<16xf32>,
        %bitcast3A_212 = vector.bitcast %get3A_211 : vector<16xf32> to vector<16xi32>
        %le3A_213 = arith.cmpi sle, %bitcast3A_212, %add3A_81 : vector<16xi32>
        %all_reduce_population_count3A_214 = tpu.all_reduce %le3A_213 {dim = 0 : i64, kind = #tpu.reduction_kind<sum>} : vector<16xi1> -> vector<16xi32>
        %add3A_215 = arith.addi %add3A_201, %all_reduce_population_count3A_214 : vector<16xi32>
        scf.yield %add3A_159, %add3A_215 : vector<16xi32>, vector<16xi32>
      }
      %scan3A_87 = arith.constant 16 : i32
      %ge3A = arith.constant 256 : i32
      %ge3A_88 = vector.broadcast %ge3A : i32 to vector<16xi32>
      %ge3A_89 = arith.cmpi sge, %scan3A_86#0, %ge3A_88 : vector<16xi32>
      %add3A_90 = arith.constant 1 : i32
      %add3A_91 = vector.broadcast %add3A_90 : i32 to vector<16xi32>
      %add3A_92 = arith.addi %add3A_76, %add3A_91 : vector<16xi32>
      %select_n3A = arith.select %ge3A_89, %scan3A_67, %add3A_92 : vector<16xi1>, vector<16xi32>
      %select_n3A_93 = arith.select %ge3A_89, %add3A_76, %scan3A_69 : vector<16xi1>, vector<16xi32>
      %select_n3A_94 = arith.select %ge3A_89, %scan3A_71, %scan3A_86#0 : vector<16xi1>, vector<16xi32>
      %ge3A_95 = arith.constant 256 : i32
      %ge3A_96 = vector.broadcast %ge3A_95 : i32 to vector<16xi32>
      %ge3A_97 = arith.cmpi sge, %scan3A_86#1, %ge3A_96 : vector<16xi32>
      %add3A_98 = arith.constant 1 : i32
      %add3A_99 = vector.broadcast %add3A_98 : i32 to vector<16xi32>
      %add3A_100 = arith.addi %add3A_81, %add3A_99 : vector<16xi32>
      %select_n3A_101 = arith.select %ge3A_97, %scan3A_68, %add3A_100 : vector<16xi1>, vector<16xi32>
      %select_n3A_102 = arith.select %ge3A_97, %add3A_81, %scan3A_70 : vector<16xi1>, vector<16xi32>
      %select_n3A_103 = arith.select %ge3A_97, %scan3A_72, %scan3A_86#1 : vector<16xi1>, vector<16xi32>
      scf.yield %select_n3A, %select_n3A_101, %select_n3A_93, %select_n3A_102, %select_n3A_94, %select_n3A_103 : vector<16xi32>, vector<16xi32>, vector<16xi32>, vector<16xi32>, vector<16xi32>, vector<16xi32>
    }
    %scan3A_14 = arith.constant 13 : i32
    "tpu.trace_stop"() : () -> ()
    "tpu.trace_start"() <{level = 10 : i32, message = "p2_compact"}> : () -> ()
    %scan3A_15 = arith.constant 0 : i32
    %scan3A_16 = arith.constant 0 : i32
    %scan3A_17 = arith.constant 0 : i32
    %scan3A_18 = arith.constant 0 : i32
    %scan3A_19 = arith.constant 0 : i32
    %scan3A_20 = arith.constant 0 : i32
    %scan3A_21 = arith.constant 0 : i32
    %scan3A_22 = arith.constant 0 : i32
    %scan3A_23 = arith.constant 0 : i32
    %scan3A_24 = arith.constant 16 : i32
    %scan3A_25 = arith.addi %scan3A_23, %scan3A_24 : i32
    %scan3A_26 = arith.constant 1 : i32
    %scan3A_27:8 = scf.for %scan3A_66 = %scan3A_23 to %scan3A_25 step %scan3A_26 iter_args(%scan3A_67 = %scan3A_15, %scan3A_68 = %scan3A_16, %scan3A_69 = %scan3A_17, %scan3A_70 = %scan3A_18, %scan3A_71 = %scan3A_19, %scan3A_72 = %scan3A_20, %scan3A_73 = %scan3A_21, %scan3A_74 = %scan3A_22) -> (i32, i32, i32, i32, i32, i32, i32, i32)  : i32 {
      %add3A_75 = arith.constant 0 : i32
      %add3A_76 = arith.addi %add3A_75, %scan3A_66 : i32
      %mul3A_77 = arith.constant 16 : i32
      %mul3A_78 = arith.muli %add3A_76, %mul3A_77 : i32
      %get3A = arith.constant 0 : i32
      %get3A_79 = arith.index_cast %get3A : i32 to index
      %get3A_80 = arith.index_cast %mul3A_78 : i32 to index
      %get3A_81 = tpu.vector_load %arg4[%get3A_79, %get3A_80] {strides = array<i32>} : memref<2x1024xf32, #tpu.memory_space<vmem>>, vector<16xf32>,
      %bitcast3A = vector.bitcast %get3A_81 : vector<16xf32> to vector<16xi32>
      %ge3A = arith.cmpi sge, %bitcast3A, %scan3A_13#0 : vector<16xi32>
      %le3A_82 = arith.cmpi sle, %bitcast3A, %scan3A_13#2 : vector<16xi32>
      %and3A_83 = arith.andi %ge3A, %le3A_82 : vector<16xi1>
      %all_reduce_population_count3A = tpu.all_reduce %and3A_83 {dim = 0 : i64, kind = #tpu.reduction_kind<sum>} : vector<16xi1> -> vector<16xi32>
      %slice3A = vector.extract_strided_slice %all_reduce_population_count3A {offsets = [0], sizes = [1], strides = [1]} : vector<16xi32> to vector<1xi32>
      %squeeze3A = vector.extract %slice3A[0] : i32 from vector<1xi32>
      %gt3A = arith.constant 0 : i32
      %gt3A_84 = arith.cmpi sgt, %squeeze3A, %gt3A : i32
      %convert_element_type3A_85 = arith.extui %gt3A_84 : i1 to i32
      %cond3A_86 = arith.constant 0 : i32
      %cond3A_87 = arith.cmpi ne, %convert_element_type3A_85, %cond3A_86 : i32
      scf.if %cond3A_87 {
        %swap3A_236 = arith.index_cast %scan3A_67 : i32 to index
        %swap3A_237 = tpu.vector_load %arg6[%swap3A_236] masked %and3A_83 {strides = array<i32>} : memref<272xi32, #tpu.memory_space<vmem>>, vector<16xi32>, vector<16xi1>
        tpu.vector_store %arg6[%swap3A_236], %bitcast3A masked %and3A_83 {strides = array<i32>} : memref<272xi32, #tpu.memory_space<vmem>>, vector<16xi32>, vector<16xi1>
      } else {
      }
      %add3A_88 = arith.addi %scan3A_67, %squeeze3A : i32
      %add3A_89 = arith.constant 16 : i32
      %add3A_90 = arith.addi %add3A_89, %scan3A_66 : i32
      %mul3A_91 = arith.constant 16 : i32
      %mul3A_92 = arith.muli %add3A_90, %mul3A_91 : i32
      %get3A_93 = arith.constant 0 : i32
      %get3A_94 = arith.index_cast %get3A_93 : i32 to index
      %get3A_95 = arith.index_cast %mul3A_92 : i32 to index
      %get3A_96 = tpu.vector_load %arg4[%get3A_94, %get3A_95] {strides = array<i32>} : memref<2x1024xf32, #tpu.memory_space<vmem>>, vector<16xf32>,
      %bitcast3A_97 = vector.bitcast %get3A_96 : vector<16xf32> to vector<16xi32>
      %ge3A_98 = arith.cmpi sge, %bitcast3A_97, %scan3A_13#0 : vector<16xi32>
      %le3A_99 = arith.cmpi sle, %bitcast3A_97, %scan3A_13#2 : vector<16xi32>
      %and3A_100 = arith.andi %ge3A_98, %le3A_99 : vector<16xi1>
      %all_reduce_population_count3A_101 = tpu.all_reduce %and3A_100 {dim = 0 : i64, kind = #tpu.reduction_kind<sum>} : vector<16xi1> -> vector<16xi32>
      %slice3A_102 = vector.extract_strided_slice %all_reduce_population_count3A_101 {offsets = [0], sizes = [1], strides = [1]} : vector<16xi32> to vector<1xi32>
      %squeeze3A_103 = vector.extract %slice3A_102[0] : i32 from vector<1xi32>
      %gt3A_104 = arith.constant 0 : i32
      %gt3A_105 = arith.cmpi sgt, %squeeze3A_103, %gt3A_104 : i32
      %convert_element_type3A_106 = arith.extui %gt3A_105 : i1 to i32
      %cond3A_107 = arith.constant 0 : i32
      %cond3A_108 = arith.cmpi ne, %convert_element_type3A_106, %cond3A_107 : i32
      scf.if %cond3A_108 {
        %swap3A_236 = arith.index_cast %scan3A_68 : i32 to index
        %swap3A_237 = tpu.vector_load %arg7[%swap3A_236] masked %and3A_100 {strides = array<i32>} : memref<272xi32, #tpu.memory_space<vmem>>, vector<16xi32>, vector<16xi1>
        tpu.vector_store %arg7[%swap3A_236], %bitcast3A_97 masked %and3A_100 {strides = array<i32>} : memref<272xi32, #tpu.memory_space<vmem>>, vector<16xi32>, vector<16xi1>
      } else {
      }
      %add3A_109 = arith.addi %scan3A_68, %squeeze3A_103 : i32
      %add3A_110 = arith.constant 32 : i32
      %add3A_111 = arith.addi %add3A_110, %scan3A_66 : i32
      %mul3A_112 = arith.constant 16 : i32
      %mul3A_113 = arith.muli %add3A_111, %mul3A_112 : i32
      %get3A_114 = arith.constant 0 : i32
      %get3A_115 = arith.index_cast %get3A_114 : i32 to index
      %get3A_116 = arith.index_cast %mul3A_113 : i32 to index
      %get3A_117 = tpu.vector_load %arg4[%get3A_115, %get3A_116] {strides = array<i32>} : memref<2x1024xf32, #tpu.memory_space<vmem>>, vector<16xf32>,
      %bitcast3A_118 = vector.bitcast %get3A_117 : vector<16xf32> to vector<16xi32>
      %ge3A_119 = arith.cmpi sge, %bitcast3A_118, %scan3A_13#0 : vector<16xi32>
      %le3A_120 = arith.cmpi sle, %bitcast3A_118, %scan3A_13#2 : vector<16xi32>
      %and3A_121 = arith.andi %ge3A_119, %le3A_120 : vector<16xi1>
      %all_reduce_population_count3A_122 = tpu.all_reduce %and3A_121 {dim = 0 : i64, kind = #tpu.reduction_kind<sum>} : vector<16xi1> -> vector<16xi32>
      %slice3A_123 = vector.extract_strided_slice %all_reduce_population_count3A_122 {offsets = [0], sizes = [1], strides = [1]} : vector<16xi32> to vector<1xi32>
      %squeeze3A_124 = vector.extract %slice3A_123[0] : i32 from vector<1xi32>
      %gt3A_125 = arith.constant 0 : i32
      %gt3A_126 = arith.cmpi sgt, %squeeze3A_124, %gt3A_125 : i32
      %convert_element_type3A_127 = arith.extui %gt3A_126 : i1 to i32
      %cond3A_128 = arith.constant 0 : i32
      %cond3A_129 = arith.cmpi ne, %convert_element_type3A_127, %cond3A_128 : i32
      scf.if %cond3A_129 {
        %swap3A_236 = arith.index_cast %scan3A_69 : i32 to index
        %swap3A_237 = tpu.vector_load %arg8[%swap3A_236] masked %and3A_121 {strides = array<i32>} : memref<272xi32, #tpu.memory_space<vmem>>, vector<16xi32>, vector<16xi1>
        tpu.vector_store %arg8[%swap3A_236], %bitcast3A_118 masked %and3A_121 {strides = array<i32>} : memref<272xi32, #tpu.memory_space<vmem>>, vector<16xi32>, vector<16xi1>
      } else {
      }
      %add3A_130 = arith.addi %scan3A_69, %squeeze3A_124 : i32
      %add3A_131 = arith.constant 48 : i32
      %add3A_132 = arith.addi %add3A_131, %scan3A_66 : i32
      %mul3A_133 = arith.constant 16 : i32
      %mul3A_134 = arith.muli %add3A_132, %mul3A_133 : i32
      %get3A_135 = arith.constant 0 : i32
      %get3A_136 = arith.index_cast %get3A_135 : i32 to index
      %get3A_137 = arith.index_cast %mul3A_134 : i32 to index
      %get3A_138 = tpu.vector_load %arg4[%get3A_136, %get3A_137] {strides = array<i32>} : memref<2x1024xf32, #tpu.memory_space<vmem>>, vector<16xf32>,
      %bitcast3A_139 = vector.bitcast %get3A_138 : vector<16xf32> to vector<16xi32>
      %ge3A_140 = arith.cmpi sge, %bitcast3A_139, %scan3A_13#0 : vector<16xi32>
      %le3A_141 = arith.cmpi sle, %bitcast3A_139, %scan3A_13#2 : vector<16xi32>
      %and3A_142 = arith.andi %ge3A_140, %le3A_141 : vector<16xi1>
      %all_reduce_population_count3A_143 = tpu.all_reduce %and3A_142 {dim = 0 : i64, kind = #tpu.reduction_kind<sum>} : vector<16xi1> -> vector<16xi32>
      %slice3A_144 = vector.extract_strided_slice %all_reduce_population_count3A_143 {offsets = [0], sizes = [1], strides = [1]} : vector<16xi32> to vector<1xi32>
      %squeeze3A_145 = vector.extract %slice3A_144[0] : i32 from vector<1xi32>
      %gt3A_146 = arith.constant 0 : i32
      %gt3A_147 = arith.cmpi sgt, %squeeze3A_145, %gt3A_146 : i32
      %convert_element_type3A_148 = arith.extui %gt3A_147 : i1 to i32
      %cond3A_149 = arith.constant 0 : i32
      %cond3A_150 = arith.cmpi ne, %convert_element_type3A_148, %cond3A_149 : i32
      scf.if %cond3A_150 {
        %swap3A_236 = arith.index_cast %scan3A_70 : i32 to index
        %swap3A_237 = tpu.vector_load %arg9[%swap3A_236] masked %and3A_142 {strides = array<i32>} : memref<272xi32, #tpu.memory_space<vmem>>, vector<16xi32>, vector<16xi1>
        tpu.vector_store %arg9[%swap3A_236], %bitcast3A_139 masked %and3A_142 {strides = array<i32>} : memref<272xi32, #tpu.memory_space<vmem>>, vector<16xi32>, vector<16xi1>
      } else {
      }
      %add3A_151 = arith.addi %scan3A_70, %squeeze3A_145 : i32
      %add3A_152 = arith.constant 0 : i32
      %add3A_153 = arith.addi %add3A_152, %scan3A_66 : i32
      %mul3A_154 = arith.constant 16 : i32
      %mul3A_155 = arith.muli %add3A_153, %mul3A_154 : i32
      %get3A_156 = arith.constant 1 : i32
      %get3A_157 = arith.index_cast %get3A_156 : i32 to index
      %get3A_158 = arith.index_cast %mul3A_155 : i32 to index
      %get3A_159 = tpu.vector_load %arg4[%get3A_157, %get3A_158] {strides = array<i32>} : memref<2x1024xf32, #tpu.memory_space<vmem>>, vector<16xf32>,
      %bitcast3A_160 = vector.bitcast %get3A_159 : vector<16xf32> to vector<16xi32>
      %ge3A_161 = arith.cmpi sge, %bitcast3A_160, %scan3A_13#1 : vector<16xi32>
      %le3A_162 = arith.cmpi sle, %bitcast3A_160, %scan3A_13#3 : vector<16xi32>
      %and3A_163 = arith.andi %ge3A_161, %le3A_162 : vector<16xi1>
      %all_reduce_population_count3A_164 = tpu.all_reduce %and3A_163 {dim = 0 : i64, kind = #tpu.reduction_kind<sum>} : vector<16xi1> -> vector<16xi32>
      %slice3A_165 = vector.extract_strided_slice %all_reduce_population_count3A_164 {offsets = [0], sizes = [1], strides = [1]} : vector<16xi32> to vector<1xi32>
      %squeeze3A_166 = vector.extract %slice3A_165[0] : i32 from vector<1xi32>
      %gt3A_167 = arith.constant 0 : i32
      %gt3A_168 = arith.cmpi sgt, %squeeze3A_166, %gt3A_167 : i32
      %convert_element_type3A_169 = arith.extui %gt3A_168 : i1 to i32
      %cond3A_170 = arith.constant 0 : i32
      %cond3A_171 = arith.cmpi ne, %convert_element_type3A_169, %cond3A_170 : i32
      scf.if %cond3A_171 {
        %swap3A_236 = arith.index_cast %scan3A_71 : i32 to index
        %swap3A_237 = tpu.vector_load %arg10[%swap3A_236] masked %and3A_163 {strides = array<i32>} : memref<272xi32, #tpu.memory_space<vmem>>, vector<16xi32>, vector<16xi1>
        tpu.vector_store %arg10[%swap3A_236], %bitcast3A_160 masked %and3A_163 {strides = array<i32>} : memref<272xi32, #tpu.memory_space<vmem>>, vector<16xi32>, vector<16xi1>
      } else {
      }
      %add3A_172 = arith.addi %scan3A_71, %squeeze3A_166 : i32
      %add3A_173 = arith.constant 16 : i32
      %add3A_174 = arith.addi %add3A_173, %scan3A_66 : i32
      %mul3A_175 = arith.constant 16 : i32
      %mul3A_176 = arith.muli %add3A_174, %mul3A_175 : i32
      %get3A_177 = arith.constant 1 : i32
      %get3A_178 = arith.index_cast %get3A_177 : i32 to index
      %get3A_179 = arith.index_cast %mul3A_176 : i32 to index
      %get3A_180 = tpu.vector_load %arg4[%get3A_178, %get3A_179] {strides = array<i32>} : memref<2x1024xf32, #tpu.memory_space<vmem>>, vector<16xf32>,
      %bitcast3A_181 = vector.bitcast %get3A_180 : vector<16xf32> to vector<16xi32>
      %ge3A_182 = arith.cmpi sge, %bitcast3A_181, %scan3A_13#1 : vector<16xi32>
      %le3A_183 = arith.cmpi sle, %bitcast3A_181, %scan3A_13#3 : vector<16xi32>
      %and3A_184 = arith.andi %ge3A_182, %le3A_183 : vector<16xi1>
      %all_reduce_population_count3A_185 = tpu.all_reduce %and3A_184 {dim = 0 : i64, kind = #tpu.reduction_kind<sum>} : vector<16xi1> -> vector<16xi32>
      %slice3A_186 = vector.extract_strided_slice %all_reduce_population_count3A_185 {offsets = [0], sizes = [1], strides = [1]} : vector<16xi32> to vector<1xi32>
      %squeeze3A_187 = vector.extract %slice3A_186[0] : i32 from vector<1xi32>
      %gt3A_188 = arith.constant 0 : i32
      %gt3A_189 = arith.cmpi sgt, %squeeze3A_187, %gt3A_188 : i32
      %convert_element_type3A_190 = arith.extui %gt3A_189 : i1 to i32
      %cond3A_191 = arith.constant 0 : i32
      %cond3A_192 = arith.cmpi ne, %convert_element_type3A_190, %cond3A_191 : i32
      scf.if %cond3A_192 {
        %swap3A_236 = arith.index_cast %scan3A_72 : i32 to index
        %swap3A_237 = tpu.vector_load %arg11[%swap3A_236] masked %and3A_184 {strides = array<i32>} : memref<272xi32, #tpu.memory_space<vmem>>, vector<16xi32>, vector<16xi1>
        tpu.vector_store %arg11[%swap3A_236], %bitcast3A_181 masked %and3A_184 {strides = array<i32>} : memref<272xi32, #tpu.memory_space<vmem>>, vector<16xi32>, vector<16xi1>
      } else {
      }
      %add3A_193 = arith.addi %scan3A_72, %squeeze3A_187 : i32
      %add3A_194 = arith.constant 32 : i32
      %add3A_195 = arith.addi %add3A_194, %scan3A_66 : i32
      %mul3A_196 = arith.constant 16 : i32
      %mul3A_197 = arith.muli %add3A_195, %mul3A_196 : i32
      %get3A_198 = arith.constant 1 : i32
      %get3A_199 = arith.index_cast %get3A_198 : i32 to index
      %get3A_200 = arith.index_cast %mul3A_197 : i32 to index
      %get3A_201 = tpu.vector_load %arg4[%get3A_199, %get3A_200] {strides = array<i32>} : memref<2x1024xf32, #tpu.memory_space<vmem>>, vector<16xf32>,
      %bitcast3A_202 = vector.bitcast %get3A_201 : vector<16xf32> to vector<16xi32>
      %ge3A_203 = arith.cmpi sge, %bitcast3A_202, %scan3A_13#1 : vector<16xi32>
      %le3A_204 = arith.cmpi sle, %bitcast3A_202, %scan3A_13#3 : vector<16xi32>
      %and3A_205 = arith.andi %ge3A_203, %le3A_204 : vector<16xi1>
      %all_reduce_population_count3A_206 = tpu.all_reduce %and3A_205 {dim = 0 : i64, kind = #tpu.reduction_kind<sum>} : vector<16xi1> -> vector<16xi32>
      %slice3A_207 = vector.extract_strided_slice %all_reduce_population_count3A_206 {offsets = [0], sizes = [1], strides = [1]} : vector<16xi32> to vector<1xi32>
      %squeeze3A_208 = vector.extract %slice3A_207[0] : i32 from vector<1xi32>
      %gt3A_209 = arith.constant 0 : i32
      %gt3A_210 = arith.cmpi sgt, %squeeze3A_208, %gt3A_209 : i32
      %convert_element_type3A_211 = arith.extui %gt3A_210 : i1 to i32
      %cond3A_212 = arith.constant 0 : i32
      %cond3A_213 = arith.cmpi ne, %convert_element_type3A_211, %cond3A_212 : i32
      scf.if %cond3A_213 {
        %swap3A_236 = arith.index_cast %scan3A_73 : i32 to index
        %swap3A_237 = tpu.vector_load %arg12[%swap3A_236] masked %and3A_205 {strides = array<i32>} : memref<272xi32, #tpu.memory_space<vmem>>, vector<16xi32>, vector<16xi1>
        tpu.vector_store %arg12[%swap3A_236], %bitcast3A_202 masked %and3A_205 {strides = array<i32>} : memref<272xi32, #tpu.memory_space<vmem>>, vector<16xi32>, vector<16xi1>
      } else {
      }
      %add3A_214 = arith.addi %scan3A_73, %squeeze3A_208 : i32
      %add3A_215 = arith.constant 48 : i32
      %add3A_216 = arith.addi %add3A_215, %scan3A_66 : i32
      %mul3A_217 = arith.constant 16 : i32
      %mul3A_218 = arith.muli %add3A_216, %mul3A_217 : i32
      %get3A_219 = arith.constant 1 : i32
      %get3A_220 = arith.index_cast %get3A_219 : i32 to index
      %get3A_221 = arith.index_cast %mul3A_218 : i32 to index
      %get3A_222 = tpu.vector_load %arg4[%get3A_220, %get3A_221] {strides = array<i32>} : memref<2x1024xf32, #tpu.memory_space<vmem>>, vector<16xf32>,
      %bitcast3A_223 = vector.bitcast %get3A_222 : vector<16xf32> to vector<16xi32>
      %ge3A_224 = arith.cmpi sge, %bitcast3A_223, %scan3A_13#1 : vector<16xi32>
      %le3A_225 = arith.cmpi sle, %bitcast3A_223, %scan3A_13#3 : vector<16xi32>
      %and3A_226 = arith.andi %ge3A_224, %le3A_225 : vector<16xi1>
      %all_reduce_population_count3A_227 = tpu.all_reduce %and3A_226 {dim = 0 : i64, kind = #tpu.reduction_kind<sum>} : vector<16xi1> -> vector<16xi32>
      %slice3A_228 = vector.extract_strided_slice %all_reduce_population_count3A_227 {offsets = [0], sizes = [1], strides = [1]} : vector<16xi32> to vector<1xi32>
      %squeeze3A_229 = vector.extract %slice3A_228[0] : i32 from vector<1xi32>
      %gt3A_230 = arith.constant 0 : i32
      %gt3A_231 = arith.cmpi sgt, %squeeze3A_229, %gt3A_230 : i32
      %convert_element_type3A_232 = arith.extui %gt3A_231 : i1 to i32
      %cond3A_233 = arith.constant 0 : i32
      %cond3A_234 = arith.cmpi ne, %convert_element_type3A_232, %cond3A_233 : i32
      scf.if %cond3A_234 {
        %swap3A_236 = arith.index_cast %scan3A_74 : i32 to index
        %swap3A_237 = tpu.vector_load %arg13[%swap3A_236] masked %and3A_226 {strides = array<i32>} : memref<272xi32, #tpu.memory_space<vmem>>, vector<16xi32>, vector<16xi1>
        tpu.vector_store %arg13[%swap3A_236], %bitcast3A_223 masked %and3A_226 {strides = array<i32>} : memref<272xi32, #tpu.memory_space<vmem>>, vector<16xi32>, vector<16xi1>
      } else {
      }
      %add3A_235 = arith.addi %scan3A_74, %squeeze3A_229 : i32
      scf.yield %add3A_88, %add3A_109, %add3A_130, %add3A_151, %add3A_172, %add3A_193, %add3A_214, %add3A_235 : i32, i32, i32, i32, i32, i32, i32, i32
    }
    %scan3A_28 = arith.constant 16 : i32
    %swap3A = arith.index_cast %scan3A_27#0 : i32 to index
    %swap3A_29 = tpu.vector_load %arg6[%swap3A] {strides = array<i32>} : memref<272xi32, #tpu.memory_space<vmem>>, vector<16xi32>,
    tpu.vector_store %arg6[%swap3A], %broadcast_in_dim3A_5 {strides = array<i32>} : memref<272xi32, #tpu.memory_space<vmem>>, vector<16xi32>,
    %swap3A_30 = arith.index_cast %scan3A_27#1 : i32 to index
    %swap3A_31 = tpu.vector_load %arg7[%swap3A_30] {strides = array<i32>} : memref<272xi32, #tpu.memory_space<vmem>>, vector<16xi32>,
    tpu.vector_store %arg7[%swap3A_30], %broadcast_in_dim3A_5 {strides = array<i32>} : memref<272xi32, #tpu.memory_space<vmem>>, vector<16xi32>,
    %swap3A_32 = arith.index_cast %scan3A_27#2 : i32 to index
    %swap3A_33 = tpu.vector_load %arg8[%swap3A_32] {strides = array<i32>} : memref<272xi32, #tpu.memory_space<vmem>>, vector<16xi32>,
    tpu.vector_store %arg8[%swap3A_32], %broadcast_in_dim3A_5 {strides = array<i32>} : memref<272xi32, #tpu.memory_space<vmem>>, vector<16xi32>,
    %swap3A_34 = arith.index_cast %scan3A_27#3 : i32 to index
    %swap3A_35 = tpu.vector_load %arg9[%swap3A_34] {strides = array<i32>} : memref<272xi32, #tpu.memory_space<vmem>>, vector<16xi32>,
    tpu.vector_store %arg9[%swap3A_34], %broadcast_in_dim3A_5 {strides = array<i32>} : memref<272xi32, #tpu.memory_space<vmem>>, vector<16xi32>,
    %swap3A_36 = arith.index_cast %scan3A_27#4 : i32 to index
    %swap3A_37 = tpu.vector_load %arg10[%swap3A_36] {strides = array<i32>} : memref<272xi32, #tpu.memory_space<vmem>>, vector<16xi32>,
    tpu.vector_store %arg10[%swap3A_36], %broadcast_in_dim3A_5 {strides = array<i32>} : memref<272xi32, #tpu.memory_space<vmem>>, vector<16xi32>,
    %swap3A_38 = arith.index_cast %scan3A_27#5 : i32 to index
    %swap3A_39 = tpu.vector_load %arg11[%swap3A_38] {strides = array<i32>} : memref<272xi32, #tpu.memory_space<vmem>>, vector<16xi32>,
    tpu.vector_store %arg11[%swap3A_38], %broadcast_in_dim3A_5 {strides = array<i32>} : memref<272xi32, #tpu.memory_space<vmem>>, vector<16xi32>,
    %swap3A_40 = arith.index_cast %scan3A_27#6 : i32 to index
    %swap3A_41 = tpu.vector_load %arg12[%swap3A_40] {strides = array<i32>} : memref<272xi32, #tpu.memory_space<vmem>>, vector<16xi32>,
    tpu.vector_store %arg12[%swap3A_40], %broadcast_in_dim3A_5 {strides = array<i32>} : memref<272xi32, #tpu.memory_space<vmem>>, vector<16xi32>,
    %swap3A_42 = arith.index_cast %scan3A_27#7 : i32 to index
    %swap3A_43 = tpu.vector_load %arg13[%swap3A_42] {strides = array<i32>} : memref<272xi32, #tpu.memory_space<vmem>>, vector<16xi32>,
    tpu.vector_store %arg13[%swap3A_42], %broadcast_in_dim3A_5 {strides = array<i32>} : memref<272xi32, #tpu.memory_space<vmem>>, vector<16xi32>,
    "tpu.trace_stop"() : () -> ()
    "tpu.trace_start"() <{level = 10 : i32, message = "p3_select"}> : () -> ()
    %add3A_44 = arith.addi %scan3A_27#0, %scan3A_27#1 : i32
    %add3A_45 = arith.addi %add3A_44, %scan3A_27#2 : i32
    %add3A_46 = arith.addi %add3A_45, %scan3A_27#3 : i32
    %add3A_47 = arith.addi %scan3A_27#4, %scan3A_27#5 : i32
    %add3A_48 = arith.addi %add3A_47, %scan3A_27#6 : i32
    %add3A_49 = arith.addi %add3A_48, %scan3A_27#7 : i32
    %le3A = arith.constant 16 : i32
    %le3A_50 = arith.cmpi sle, %add3A_46, %le3A : i32
    %le3A_51 = arith.constant 16 : i32
    %le3A_52 = arith.cmpi sle, %add3A_49, %le3A_51 : i32
    %and3A = arith.andi %le3A_50, %le3A_52 : i1
    %iota3A = tpu.iota {dimensions = array<i32: 0>} : vector<16xi32>
    %convert_element_type3A = arith.extui %and3A : i1 to i32
    %cond3A = arith.constant 0 : i32
    %cond3A_53 = arith.cmpi ne, %convert_element_type3A, %cond3A : i32
    %cond3A_54:4 = scf.if %cond3A_53 -> (vector<16xi32>, vector<16xi32>, vector<16xi32>, vector<16xi32>) {
      %get3A = arith.constant 0 : index
      %get3A_66 = tpu.vector_load %arg6[%get3A] {strides = array<i32>} : memref<272xi32, #tpu.memory_space<vmem>>, vector<16xi32>,
      %get3A_67 = arith.constant 0 : index
      %get3A_68 = tpu.vector_load %arg7[%get3A_67] {strides = array<i32>} : memref<272xi32, #tpu.memory_space<vmem>>, vector<16xi32>,
      %get3A_69 = arith.constant 0 : index
      %get3A_70 = tpu.vector_load %arg8[%get3A_69] {strides = array<i32>} : memref<272xi32, #tpu.memory_space<vmem>>, vector<16xi32>,
      %get3A_71 = arith.constant 0 : index
      %get3A_72 = tpu.vector_load %arg9[%get3A_71] {strides = array<i32>} : memref<272xi32, #tpu.memory_space<vmem>>, vector<16xi32>,
      %lt3A = arith.cmpi slt, %get3A_66, %broadcast_in_dim3A_5 : vector<16xi32>
      %swap3A_73 = arith.constant 0 : i32
      %swap3A_74 = arith.index_cast %swap3A_73 : i32 to index
      %swap3A_75 = tpu.vector_load %arg14[%swap3A_74] masked %lt3A {strides = array<i32>} : memref<32xi32, #tpu.memory_space<vmem>>, vector<16xi32>, vector<16xi1>
      tpu.vector_store %arg14[%swap3A_74], %get3A_66 masked %lt3A {strides = array<i32>} : memref<32xi32, #tpu.memory_space<vmem>>, vector<16xi32>, vector<16xi1>
      %all_reduce_population_count3A = tpu.all_reduce %lt3A {dim = 0 : i64, kind = #tpu.reduction_kind<sum>} : vector<16xi1> -> vector<16xi32>
      %slice3A = vector.extract_strided_slice %all_reduce_population_count3A {offsets = [0], sizes = [1], strides = [1]} : vector<16xi32> to vector<1xi32>
      %squeeze3A = vector.extract %slice3A[0] : i32 from vector<1xi32>
      %add3A_76 = arith.constant 0 : i32
      %add3A_77 = arith.addi %add3A_76, %squeeze3A : i32
      %lt3A_78 = arith.cmpi slt, %get3A_68, %broadcast_in_dim3A_5 : vector<16xi32>
      %swap3A_79 = arith.index_cast %add3A_77 : i32 to index
      %swap3A_80 = tpu.vector_load %arg14[%swap3A_79] masked %lt3A_78 {strides = array<i32>} : memref<32xi32, #tpu.memory_space<vmem>>, vector<16xi32>, vector<16xi1>
      tpu.vector_store %arg14[%swap3A_79], %get3A_68 masked %lt3A_78 {strides = array<i32>} : memref<32xi32, #tpu.memory_space<vmem>>, vector<16xi32>, vector<16xi1>
      %all_reduce_population_count3A_81 = tpu.all_reduce %lt3A_78 {dim = 0 : i64, kind = #tpu.reduction_kind<sum>} : vector<16xi1> -> vector<16xi32>
      %slice3A_82 = vector.extract_strided_slice %all_reduce_population_count3A_81 {offsets = [0], sizes = [1], strides = [1]} : vector<16xi32> to vector<1xi32>
      %squeeze3A_83 = vector.extract %slice3A_82[0] : i32 from vector<1xi32>
      %add3A_84 = arith.addi %add3A_77, %squeeze3A_83 : i32
      %lt3A_85 = arith.cmpi slt, %get3A_70, %broadcast_in_dim3A_5 : vector<16xi32>
      %swap3A_86 = arith.index_cast %add3A_84 : i32 to index
      %swap3A_87 = tpu.vector_load %arg14[%swap3A_86] masked %lt3A_85 {strides = array<i32>} : memref<32xi32, #tpu.memory_space<vmem>>, vector<16xi32>, vector<16xi1>
      tpu.vector_store %arg14[%swap3A_86], %get3A_70 masked %lt3A_85 {strides = array<i32>} : memref<32xi32, #tpu.memory_space<vmem>>, vector<16xi32>, vector<16xi1>
      %all_reduce_population_count3A_88 = tpu.all_reduce %lt3A_85 {dim = 0 : i64, kind = #tpu.reduction_kind<sum>} : vector<16xi1> -> vector<16xi32>
      %slice3A_89 = vector.extract_strided_slice %all_reduce_population_count3A_88 {offsets = [0], sizes = [1], strides = [1]} : vector<16xi32> to vector<1xi32>
      %squeeze3A_90 = vector.extract %slice3A_89[0] : i32 from vector<1xi32>
      %add3A_91 = arith.addi %add3A_84, %squeeze3A_90 : i32
      %lt3A_92 = arith.cmpi slt, %get3A_72, %broadcast_in_dim3A_5 : vector<16xi32>
      %swap3A_93 = arith.index_cast %add3A_91 : i32 to index
      %swap3A_94 = tpu.vector_load %arg14[%swap3A_93] masked %lt3A_92 {strides = array<i32>} : memref<32xi32, #tpu.memory_space<vmem>>, vector<16xi32>, vector<16xi1>
      tpu.vector_store %arg14[%swap3A_93], %get3A_72 masked %lt3A_92 {strides = array<i32>} : memref<32xi32, #tpu.memory_space<vmem>>, vector<16xi32>, vector<16xi1>
      %all_reduce_population_count3A_95 = tpu.all_reduce %lt3A_92 {dim = 0 : i64, kind = #tpu.reduction_kind<sum>} : vector<16xi1> -> vector<16xi32>
      %slice3A_96 = vector.extract_strided_slice %all_reduce_population_count3A_95 {offsets = [0], sizes = [1], strides = [1]} : vector<16xi32> to vector<1xi32>
      %squeeze3A_97 = vector.extract %slice3A_96[0] : i32 from vector<1xi32>
      %add3A_98 = arith.addi %add3A_91, %squeeze3A_97 : i32
      %swap3A_99 = arith.index_cast %add3A_98 : i32 to index
      %swap3A_100 = tpu.vector_load %arg14[%swap3A_99] {strides = array<i32>} : memref<32xi32, #tpu.memory_space<vmem>>, vector<16xi32>,
      tpu.vector_store %arg14[%swap3A_99], %broadcast_in_dim3A_5 {strides = array<i32>} : memref<32xi32, #tpu.memory_space<vmem>>, vector<16xi32>,
      %get3A_101 = arith.constant 0 : index
      %get3A_102 = tpu.vector_load %arg14[%get3A_101] {strides = array<i32>} : memref<32xi32, #tpu.memory_space<vmem>>, vector<16xi32>,
      %masked_sort3A = arith.constant dense<true> : vector<16xi1>
      %masked_sort3A_103 = arith.constant -2147483648 : i32
      %masked_sort3A_104 = vector.broadcast %masked_sort3A_103 : i32 to vector<16xi32>
      %masked_sort3A_105 = arith.xori %get3A_102, %masked_sort3A_104 : vector<16xi32>
      %masked_sort3A_106, %masked_sort3A_107, %masked_sort3A_108 = tpu.sort %masked_sort3A_105, %get3A_102 masked %masked_sort3A : (vector<16xi32>, vector<16xi32>, vector<16xi1>) -> (vector<16xi1>, vector<16xi32>, vector<16xi32>)
      %masked_sort3A_109 = arith.xori %masked_sort3A_107, %masked_sort3A_104 : vector<16xi32>
      %sub3A_110 = arith.constant 256 : i32
      %sub3A_111 = vector.broadcast %sub3A_110 : i32 to vector<16xi32>
      %sub3A_112 = arith.subi %sub3A_111, %scan3A_13#4 : vector<16xi32>
      %lt3A_113 = arith.cmpi slt, %iota3A, %sub3A_112 : vector<16xi32>
      %jit3A = arith.constant 0 : i32
      %broadcast_in_dim3A_114 = vector.broadcast %jit3A : i32 to vector<16xi32>
      %select_n3A = arith.select %lt3A_113, %masked_sort3A_109, %broadcast_in_dim3A_114 : vector<16xi1>, vector<16xi32>
      %reduce_max3A = arith.constant true
      %reduce_max3A_115 = vector.broadcast %reduce_max3A : i1 to vector<16xi1>
      %reduce_max3A_116 = arith.constant -2147483648 : i32
      %reduce_max3A_117 = vector.broadcast %reduce_max3A_116 : i32 to vector<16xi32>
      %reduce_max3A_118 = arith.xori %select_n3A, %reduce_max3A_117 : vector<16xi32>
      %reduce_max3A_119 = tpu.scan <max>, %reduce_max3A_118 masked %reduce_max3A_115 : vector<16xi32>, vector<16xi1> -> vector<16xi32>
      %reduce_max3A_120 = arith.xori %reduce_max3A_119, %reduce_max3A_117 : vector<16xi32>
      %reduce_max3A_121 = vector.extract %reduce_max3A_120[15] : i32 from vector<16xi32>
      %broadcast_in_dim3A_122 = vector.broadcast %reduce_max3A_121 : i32 to vector<16xi32>
      %lt3A_123 = arith.cmpi slt, %get3A_102, %broadcast_in_dim3A_122 : vector<16xi32>
      %all_reduce_population_count3A_124 = tpu.all_reduce %lt3A_123 {dim = 0 : i64, kind = #tpu.reduction_kind<sum>} : vector<16xi1> -> vector<16xi32>
      %add3A_125 = arith.addi %scan3A_13#4, %all_reduce_population_count3A_124 : vector<16xi32>
      %get3A_126 = arith.constant 0 : index
      %get3A_127 = tpu.vector_load %arg10[%get3A_126] {strides = array<i32>} : memref<272xi32, #tpu.memory_space<vmem>>, vector<16xi32>,
      %get3A_128 = arith.constant 0 : index
      %get3A_129 = tpu.vector_load %arg11[%get3A_128] {strides = array<i32>} : memref<272xi32, #tpu.memory_space<vmem>>, vector<16xi32>,
      %get3A_130 = arith.constant 0 : index
      %get3A_131 = tpu.vector_load %arg12[%get3A_130] {strides = array<i32>} : memref<272xi32, #tpu.memory_space<vmem>>, vector<16xi32>,
      %get3A_132 = arith.constant 0 : index
      %get3A_133 = tpu.vector_load %arg13[%get3A_132] {strides = array<i32>} : memref<272xi32, #tpu.memory_space<vmem>>, vector<16xi32>,
      %lt3A_134 = arith.cmpi slt, %get3A_127, %broadcast_in_dim3A_5 : vector<16xi32>
      %swap3A_135 = arith.constant 0 : i32
      %swap3A_136 = arith.index_cast %swap3A_135 : i32 to index
      %swap3A_137 = tpu.vector_load %arg15[%swap3A_136] masked %lt3A_134 {strides = array<i32>} : memref<32xi32, #tpu.memory_space<vmem>>, vector<16xi32>, vector<16xi1>
      tpu.vector_store %arg15[%swap3A_136], %get3A_127 masked %lt3A_134 {strides = array<i32>} : memref<32xi32, #tpu.memory_space<vmem>>, vector<16xi32>, vector<16xi1>
      %all_reduce_population_count3A_138 = tpu.all_reduce %lt3A_134 {dim = 0 : i64, kind = #tpu.reduction_kind<sum>} : vector<16xi1> -> vector<16xi32>
      %slice3A_139 = vector.extract_strided_slice %all_reduce_population_count3A_138 {offsets = [0], sizes = [1], strides = [1]} : vector<16xi32> to vector<1xi32>
      %squeeze3A_140 = vector.extract %slice3A_139[0] : i32 from vector<1xi32>
      %add3A_141 = arith.constant 0 : i32
      %add3A_142 = arith.addi %add3A_141, %squeeze3A_140 : i32
      %lt3A_143 = arith.cmpi slt, %get3A_129, %broadcast_in_dim3A_5 : vector<16xi32>
      %swap3A_144 = arith.index_cast %add3A_142 : i32 to index
      %swap3A_145 = tpu.vector_load %arg15[%swap3A_144] masked %lt3A_143 {strides = array<i32>} : memref<32xi32, #tpu.memory_space<vmem>>, vector<16xi32>, vector<16xi1>
      tpu.vector_store %arg15[%swap3A_144], %get3A_129 masked %lt3A_143 {strides = array<i32>} : memref<32xi32, #tpu.memory_space<vmem>>, vector<16xi32>, vector<16xi1>
      %all_reduce_population_count3A_146 = tpu.all_reduce %lt3A_143 {dim = 0 : i64, kind = #tpu.reduction_kind<sum>} : vector<16xi1> -> vector<16xi32>
      %slice3A_147 = vector.extract_strided_slice %all_reduce_population_count3A_146 {offsets = [0], sizes = [1], strides = [1]} : vector<16xi32> to vector<1xi32>
      %squeeze3A_148 = vector.extract %slice3A_147[0] : i32 from vector<1xi32>
      %add3A_149 = arith.addi %add3A_142, %squeeze3A_148 : i32
      %lt3A_150 = arith.cmpi slt, %get3A_131, %broadcast_in_dim3A_5 : vector<16xi32>
      %swap3A_151 = arith.index_cast %add3A_149 : i32 to index
      %swap3A_152 = tpu.vector_load %arg15[%swap3A_151] masked %lt3A_150 {strides = array<i32>} : memref<32xi32, #tpu.memory_space<vmem>>, vector<16xi32>, vector<16xi1>
      tpu.vector_store %arg15[%swap3A_151], %get3A_131 masked %lt3A_150 {strides = array<i32>} : memref<32xi32, #tpu.memory_space<vmem>>, vector<16xi32>, vector<16xi1>
      %all_reduce_population_count3A_153 = tpu.all_reduce %lt3A_150 {dim = 0 : i64, kind = #tpu.reduction_kind<sum>} : vector<16xi1> -> vector<16xi32>
      %slice3A_154 = vector.extract_strided_slice %all_reduce_population_count3A_153 {offsets = [0], sizes = [1], strides = [1]} : vector<16xi32> to vector<1xi32>
      %squeeze3A_155 = vector.extract %slice3A_154[0] : i32 from vector<1xi32>
      %add3A_156 = arith.addi %add3A_149, %squeeze3A_155 : i32
      %lt3A_157 = arith.cmpi slt, %get3A_133, %broadcast_in_dim3A_5 : vector<16xi32>
      %swap3A_158 = arith.index_cast %add3A_156 : i32 to index
      %swap3A_159 = tpu.vector_load %arg15[%swap3A_158] masked %lt3A_157 {strides = array<i32>} : memref<32xi32, #tpu.memory_space<vmem>>, vector<16xi32>, vector<16xi1>
      tpu.vector_store %arg15[%swap3A_158], %get3A_133 masked %lt3A_157 {strides = array<i32>} : memref<32xi32, #tpu.memory_space<vmem>>, vector<16xi32>, vector<16xi1>
      %all_reduce_population_count3A_160 = tpu.all_reduce %lt3A_157 {dim = 0 : i64, kind = #tpu.reduction_kind<sum>} : vector<16xi1> -> vector<16xi32>
      %slice3A_161 = vector.extract_strided_slice %all_reduce_population_count3A_160 {offsets = [0], sizes = [1], strides = [1]} : vector<16xi32> to vector<1xi32>
      %squeeze3A_162 = vector.extract %slice3A_161[0] : i32 from vector<1xi32>
      %add3A_163 = arith.addi %add3A_156, %squeeze3A_162 : i32
      %swap3A_164 = arith.index_cast %add3A_163 : i32 to index
      %swap3A_165 = tpu.vector_load %arg15[%swap3A_164] {strides = array<i32>} : memref<32xi32, #tpu.memory_space<vmem>>, vector<16xi32>,
      tpu.vector_store %arg15[%swap3A_164], %broadcast_in_dim3A_5 {strides = array<i32>} : memref<32xi32, #tpu.memory_space<vmem>>, vector<16xi32>,
      %get3A_166 = arith.constant 0 : index
      %get3A_167 = tpu.vector_load %arg15[%get3A_166] {strides = array<i32>} : memref<32xi32, #tpu.memory_space<vmem>>, vector<16xi32>,
      %masked_sort3A_168 = arith.constant dense<true> : vector<16xi1>
      %masked_sort3A_169 = arith.constant -2147483648 : i32
      %masked_sort3A_170 = vector.broadcast %masked_sort3A_169 : i32 to vector<16xi32>
      %masked_sort3A_171 = arith.xori %get3A_167, %masked_sort3A_170 : vector<16xi32>
      %masked_sort3A_172, %masked_sort3A_173, %masked_sort3A_174 = tpu.sort %masked_sort3A_171, %get3A_167 masked %masked_sort3A_168 : (vector<16xi32>, vector<16xi32>, vector<16xi1>) -> (vector<16xi1>, vector<16xi32>, vector<16xi32>)
      %masked_sort3A_175 = arith.xori %masked_sort3A_173, %masked_sort3A_170 : vector<16xi32>
      %sub3A_176 = arith.constant 256 : i32
      %sub3A_177 = vector.broadcast %sub3A_176 : i32 to vector<16xi32>
      %sub3A_178 = arith.subi %sub3A_177, %scan3A_13#5 : vector<16xi32>
      %lt3A_179 = arith.cmpi slt, %iota3A, %sub3A_178 : vector<16xi32>
      %jit3A_180 = arith.constant 0 : i32
      %broadcast_in_dim3A_181 = vector.broadcast %jit3A_180 : i32 to vector<16xi32>
      %select_n3A_182 = arith.select %lt3A_179, %masked_sort3A_175, %broadcast_in_dim3A_181 : vector<16xi1>, vector<16xi32>
      %reduce_max3A_183 = arith.constant true
      %reduce_max3A_184 = vector.broadcast %reduce_max3A_183 : i1 to vector<16xi1>
      %reduce_max3A_185 = arith.constant -2147483648 : i32
      %reduce_max3A_186 = vector.broadcast %reduce_max3A_185 : i32 to vector<16xi32>
      %reduce_max3A_187 = arith.xori %select_n3A_182, %reduce_max3A_186 : vector<16xi32>
      %reduce_max3A_188 = tpu.scan <max>, %reduce_max3A_187 masked %reduce_max3A_184 : vector<16xi32>, vector<16xi1> -> vector<16xi32>
      %reduce_max3A_189 = arith.xori %reduce_max3A_188, %reduce_max3A_186 : vector<16xi32>
      %reduce_max3A_190 = vector.extract %reduce_max3A_189[15] : i32 from vector<16xi32>
      %broadcast_in_dim3A_191 = vector.broadcast %reduce_max3A_190 : i32 to vector<16xi32>
      %lt3A_192 = arith.cmpi slt, %get3A_167, %broadcast_in_dim3A_191 : vector<16xi32>
      %all_reduce_population_count3A_193 = tpu.all_reduce %lt3A_192 {dim = 0 : i64, kind = #tpu.reduction_kind<sum>} : vector<16xi1> -> vector<16xi32>
      %add3A_194 = arith.addi %scan3A_13#5, %all_reduce_population_count3A_193 : vector<16xi32>
      scf.yield %broadcast_in_dim3A_122, %broadcast_in_dim3A_191, %add3A_125, %add3A_194 : vector<16xi32>, vector<16xi32>, vector<16xi32>, vector<16xi32>
    } else {
      %max3A = arith.maxsi %scan3A_27#0, %scan3A_27#1 : i32
      %max3A_66 = arith.maxsi %max3A, %scan3A_27#2 : i32
      %max3A_67 = arith.maxsi %max3A_66, %scan3A_27#3 : i32
      %max3A_68 = arith.maxsi %max3A_67, %scan3A_27#4 : i32
      %max3A_69 = arith.maxsi %max3A_68, %scan3A_27#5 : i32
      %max3A_70 = arith.maxsi %max3A_69, %scan3A_27#6 : i32
      %max3A_71 = arith.maxsi %max3A_70, %scan3A_27#7 : i32
      %add3A_72 = arith.constant 16 : i32
      %add3A_73 = arith.addi %max3A_71, %add3A_72 : i32
      %sub3A_74 = arith.constant 1 : i32
      %sub3A_75 = arith.subi %add3A_73, %sub3A_74 : i32
      %jit3A = arith.constant 16 : i32
      %div3A = arith.divsi %sub3A_75, %jit3A : i32
      %sign3A = arith.constant 0 : i32
      %sign3A_76 = arith.cmpi sgt, %sub3A_75, %sign3A : i32
      %sign3A_77 = arith.extui %sign3A_76 : i1 to i32
      %sign3A_78 = arith.constant 0 : i32
      %sign3A_79 = arith.cmpi slt, %sub3A_75, %sign3A_78 : i32
      %sign3A_80 = arith.extui %sign3A_79 : i1 to i32
      %sign3A_81 = arith.subi %sign3A_77, %sign3A_80 : i32
      %sign3A_82 = arith.constant 0 : i32
      %sign3A_83 = arith.cmpi sgt, %jit3A, %sign3A_82 : i32
      %sign3A_84 = arith.extui %sign3A_83 : i1 to i32
      %sign3A_85 = arith.constant 0 : i32
      %sign3A_86 = arith.cmpi slt, %jit3A, %sign3A_85 : i32
      %sign3A_87 = arith.extui %sign3A_86 : i1 to i32
      %sign3A_88 = arith.subi %sign3A_84, %sign3A_87 : i32
      %ne3A = arith.cmpi ne, %sign3A_81, %sign3A_88 : i32
      %rem3A = arith.remsi %sub3A_75, %jit3A : i32
      %ne3A_89 = arith.constant 0 : i32
      %ne3A_90 = arith.cmpi ne, %rem3A, %ne3A_89 : i32
      %and3A_91 = arith.andi %ne3A, %ne3A_90 : i1
      %sub3A_92 = arith.constant 1 : i32
      %sub3A_93 = arith.subi %div3A, %sub3A_92 : i32
      %select_n3A = arith.select %and3A_91, %sub3A_93, %div3A : i32
      %scan3A_94 = arith.constant 0 : i32
      %scan3A_95 = arith.constant 17 : i32
      %scan3A_96 = arith.addi %scan3A_94, %scan3A_95 : i32
      %scan3A_97 = arith.constant 1 : i32
      %scan3A_98:6 = scf.for %scan3A_100 = %scan3A_94 to %scan3A_96 step %scan3A_97 iter_args(%scan3A_101 = %scan3A_13#0, %scan3A_102 = %scan3A_13#1, %scan3A_103 = %scan3A_13#2, %scan3A_104 = %scan3A_13#3, %scan3A_105 = %scan3A_13#4, %scan3A_106 = %scan3A_13#5) -> (vector<16xi32>, vector<16xi32>, vector<16xi32>, vector<16xi32>, vector<16xi32>, vector<16xi32>)  : i32 {
        %sub3A_107 = arith.subi %scan3A_103, %scan3A_101 : vector<16xi32>
        %shift_right_arithmetic3A = arith.constant 1 : i32
        %shift_right_arithmetic3A_108 = vector.broadcast %shift_right_arithmetic3A : i32 to vector<16xi32>
        %shift_right_arithmetic3A_109 = arith.shrsi %sub3A_107, %shift_right_arithmetic3A_108 : vector<16xi32>
        %add3A_110 = arith.addi %scan3A_101, %shift_right_arithmetic3A_109 : vector<16xi32>
        %sub3A_111 = arith.subi %scan3A_104, %scan3A_102 : vector<16xi32>
        %shift_right_arithmetic3A_112 = arith.constant 1 : i32
        %shift_right_arithmetic3A_113 = vector.broadcast %shift_right_arithmetic3A_112 : i32 to vector<16xi32>
        %shift_right_arithmetic3A_114 = arith.shrsi %sub3A_111, %shift_right_arithmetic3A_113 : vector<16xi32>
        %add3A_115 = arith.addi %scan3A_102, %shift_right_arithmetic3A_114 : vector<16xi32>
        %while3A = arith.constant 0 : i32
        %while3A_116 = arith.subi %select_n3A, %while3A : i32
        %while3A_117 = arith.addi %while3A, %while3A_116 : i32
        %while3A_118 = arith.constant 1 : i32
        %while3A_119 = arith.divsi %while3A_116, %while3A_118 : i32
        %while3A_120 = arith.muli %while3A_119, %while3A_118 : i32
        %while3A_121 = arith.addi %while3A, %while3A_120 : i32
        %while3A_122 = arith.constant 1 : i32
        %while3A_123:2 = scf.for %while3A_145 = %while3A to %while3A_121 step %while3A_122 iter_args(%while3A_146 = %broadcast_in_dim3A_3, %while3A_147 = %broadcast_in_dim3A_3) -> (vector<16xi32>, vector<16xi32>)  : i32 {
          %mul3A_148 = arith.constant 16 : i32
          %mul3A_149 = arith.muli %while3A_145, %mul3A_148 : i32
          %get3A = arith.index_cast %mul3A_149 : i32 to index
          %get3A_150 = tpu.vector_load %arg6[%get3A] {strides = array<i32>} : memref<272xi32, #tpu.memory_space<vmem>>, vector<16xi32>,
          %le3A_151 = arith.cmpi sle, %get3A_150, %add3A_110 : vector<16xi32>
          %all_reduce_population_count3A = tpu.all_reduce %le3A_151 {dim = 0 : i64, kind = #tpu.reduction_kind<sum>} : vector<16xi1> -> vector<16xi32>
          %add3A_152 = arith.addi %while3A_146, %all_reduce_population_count3A : vector<16xi32>
          %mul3A_153 = arith.constant 16 : i32
          %mul3A_154 = arith.muli %while3A_145, %mul3A_153 : i32
          %get3A_155 = arith.index_cast %mul3A_154 : i32 to index
          %get3A_156 = tpu.vector_load %arg7[%get3A_155] {strides = array<i32>} : memref<272xi32, #tpu.memory_space<vmem>>, vector<16xi32>,
          %le3A_157 = arith.cmpi sle, %get3A_156, %add3A_110 : vector<16xi32>
          %all_reduce_population_count3A_158 = tpu.all_reduce %le3A_157 {dim = 0 : i64, kind = #tpu.reduction_kind<sum>} : vector<16xi1> -> vector<16xi32>
          %add3A_159 = arith.addi %add3A_152, %all_reduce_population_count3A_158 : vector<16xi32>
          %mul3A_160 = arith.constant 16 : i32
          %mul3A_161 = arith.muli %while3A_145, %mul3A_160 : i32
          %get3A_162 = arith.index_cast %mul3A_161 : i32 to index
          %get3A_163 = tpu.vector_load %arg8[%get3A_162] {strides = array<i32>} : memref<272xi32, #tpu.memory_space<vmem>>, vector<16xi32>,
          %le3A_164 = arith.cmpi sle, %get3A_163, %add3A_110 : vector<16xi32>
          %all_reduce_population_count3A_165 = tpu.all_reduce %le3A_164 {dim = 0 : i64, kind = #tpu.reduction_kind<sum>} : vector<16xi1> -> vector<16xi32>
          %add3A_166 = arith.addi %add3A_159, %all_reduce_population_count3A_165 : vector<16xi32>
          %mul3A_167 = arith.constant 16 : i32
          %mul3A_168 = arith.muli %while3A_145, %mul3A_167 : i32
          %get3A_169 = arith.index_cast %mul3A_168 : i32 to index
          %get3A_170 = tpu.vector_load %arg9[%get3A_169] {strides = array<i32>} : memref<272xi32, #tpu.memory_space<vmem>>, vector<16xi32>,
          %le3A_171 = arith.cmpi sle, %get3A_170, %add3A_110 : vector<16xi32>
          %all_reduce_population_count3A_172 = tpu.all_reduce %le3A_171 {dim = 0 : i64, kind = #tpu.reduction_kind<sum>} : vector<16xi1> -> vector<16xi32>
          %add3A_173 = arith.addi %add3A_166, %all_reduce_population_count3A_172 : vector<16xi32>
          %mul3A_174 = arith.constant 16 : i32
          %mul3A_175 = arith.muli %while3A_145, %mul3A_174 : i32
          %get3A_176 = arith.index_cast %mul3A_175 : i32 to index
          %get3A_177 = tpu.vector_load %arg10[%get3A_176] {strides = array<i32>} : memref<272xi32, #tpu.memory_space<vmem>>, vector<16xi32>,
          %le3A_178 = arith.cmpi sle, %get3A_177, %add3A_115 : vector<16xi32>
          %all_reduce_population_count3A_179 = tpu.all_reduce %le3A_178 {dim = 0 : i64, kind = #tpu.reduction_kind<sum>} : vector<16xi1> -> vector<16xi32>
          %add3A_180 = arith.addi %while3A_147, %all_reduce_population_count3A_179 : vector<16xi32>
          %mul3A_181 = arith.constant 16 : i32
          %mul3A_182 = arith.muli %while3A_145, %mul3A_181 : i32
          %get3A_183 = arith.index_cast %mul3A_182 : i32 to index
          %get3A_184 = tpu.vector_load %arg11[%get3A_183] {strides = array<i32>} : memref<272xi32, #tpu.memory_space<vmem>>, vector<16xi32>,
          %le3A_185 = arith.cmpi sle, %get3A_184, %add3A_115 : vector<16xi32>
          %all_reduce_population_count3A_186 = tpu.all_reduce %le3A_185 {dim = 0 : i64, kind = #tpu.reduction_kind<sum>} : vector<16xi1> -> vector<16xi32>
          %add3A_187 = arith.addi %add3A_180, %all_reduce_population_count3A_186 : vector<16xi32>
          %mul3A_188 = arith.constant 16 : i32
          %mul3A_189 = arith.muli %while3A_145, %mul3A_188 : i32
          %get3A_190 = arith.index_cast %mul3A_189 : i32 to index
          %get3A_191 = tpu.vector_load %arg12[%get3A_190] {strides = array<i32>} : memref<272xi32, #tpu.memory_space<vmem>>, vector<16xi32>,
          %le3A_192 = arith.cmpi sle, %get3A_191, %add3A_115 : vector<16xi32>
          %all_reduce_population_count3A_193 = tpu.all_reduce %le3A_192 {dim = 0 : i64, kind = #tpu.reduction_kind<sum>} : vector<16xi1> -> vector<16xi32>
          %add3A_194 = arith.addi %add3A_187, %all_reduce_population_count3A_193 : vector<16xi32>
          %mul3A_195 = arith.constant 16 : i32
          %mul3A_196 = arith.muli %while3A_145, %mul3A_195 : i32
          %get3A_197 = arith.index_cast %mul3A_196 : i32 to index
          %get3A_198 = tpu.vector_load %arg13[%get3A_197] {strides = array<i32>} : memref<272xi32, #tpu.memory_space<vmem>>, vector<16xi32>,
          %le3A_199 = arith.cmpi sle, %get3A_198, %add3A_115 : vector<16xi32>
          %all_reduce_population_count3A_200 = tpu.all_reduce %le3A_199 {dim = 0 : i64, kind = #tpu.reduction_kind<sum>} : vector<16xi1> -> vector<16xi32>
          %add3A_201 = arith.addi %add3A_194, %all_reduce_population_count3A_200 : vector<16xi32>
          scf.yield %add3A_173, %add3A_201 : vector<16xi32>, vector<16xi32>
        }
        %while3A_124 = arith.constant 1 : i32
        %while3A_125:2 = scf.for %while3A_145 = %while3A_121 to %while3A_117 step %while3A_124 iter_args(%while3A_146 = %while3A_123#0, %while3A_147 = %while3A_123#1) -> (vector<16xi32>, vector<16xi32>)  : i32 {
          %mul3A_148 = arith.constant 16 : i32
          %mul3A_149 = arith.muli %while3A_145, %mul3A_148 : i32
          %get3A = arith.index_cast %mul3A_149 : i32 to index
          %get3A_150 = tpu.vector_load %arg6[%get3A] {strides = array<i32>} : memref<272xi32, #tpu.memory_space<vmem>>, vector<16xi32>,
          %le3A_151 = arith.cmpi sle, %get3A_150, %add3A_110 : vector<16xi32>
          %all_reduce_population_count3A = tpu.all_reduce %le3A_151 {dim = 0 : i64, kind = #tpu.reduction_kind<sum>} : vector<16xi1> -> vector<16xi32>
          %add3A_152 = arith.addi %while3A_146, %all_reduce_population_count3A : vector<16xi32>
          %mul3A_153 = arith.constant 16 : i32
          %mul3A_154 = arith.muli %while3A_145, %mul3A_153 : i32
          %get3A_155 = arith.index_cast %mul3A_154 : i32 to index
          %get3A_156 = tpu.vector_load %arg7[%get3A_155] {strides = array<i32>} : memref<272xi32, #tpu.memory_space<vmem>>, vector<16xi32>,
          %le3A_157 = arith.cmpi sle, %get3A_156, %add3A_110 : vector<16xi32>
          %all_reduce_population_count3A_158 = tpu.all_reduce %le3A_157 {dim = 0 : i64, kind = #tpu.reduction_kind<sum>} : vector<16xi1> -> vector<16xi32>
          %add3A_159 = arith.addi %add3A_152, %all_reduce_population_count3A_158 : vector<16xi32>
          %mul3A_160 = arith.constant 16 : i32
          %mul3A_161 = arith.muli %while3A_145, %mul3A_160 : i32
          %get3A_162 = arith.index_cast %mul3A_161 : i32 to index
          %get3A_163 = tpu.vector_load %arg8[%get3A_162] {strides = array<i32>} : memref<272xi32, #tpu.memory_space<vmem>>, vector<16xi32>,
          %le3A_164 = arith.cmpi sle, %get3A_163, %add3A_110 : vector<16xi32>
          %all_reduce_population_count3A_165 = tpu.all_reduce %le3A_164 {dim = 0 : i64, kind = #tpu.reduction_kind<sum>} : vector<16xi1> -> vector<16xi32>
          %add3A_166 = arith.addi %add3A_159, %all_reduce_population_count3A_165 : vector<16xi32>
          %mul3A_167 = arith.constant 16 : i32
          %mul3A_168 = arith.muli %while3A_145, %mul3A_167 : i32
          %get3A_169 = arith.index_cast %mul3A_168 : i32 to index
          %get3A_170 = tpu.vector_load %arg9[%get3A_169] {strides = array<i32>} : memref<272xi32, #tpu.memory_space<vmem>>, vector<16xi32>,
          %le3A_171 = arith.cmpi sle, %get3A_170, %add3A_110 : vector<16xi32>
          %all_reduce_population_count3A_172 = tpu.all_reduce %le3A_171 {dim = 0 : i64, kind = #tpu.reduction_kind<sum>} : vector<16xi1> -> vector<16xi32>
          %add3A_173 = arith.addi %add3A_166, %all_reduce_population_count3A_172 : vector<16xi32>
          %mul3A_174 = arith.constant 16 : i32
          %mul3A_175 = arith.muli %while3A_145, %mul3A_174 : i32
          %get3A_176 = arith.index_cast %mul3A_175 : i32 to index
          %get3A_177 = tpu.vector_load %arg10[%get3A_176] {strides = array<i32>} : memref<272xi32, #tpu.memory_space<vmem>>, vector<16xi32>,
          %le3A_178 = arith.cmpi sle, %get3A_177, %add3A_115 : vector<16xi32>
          %all_reduce_population_count3A_179 = tpu.all_reduce %le3A_178 {dim = 0 : i64, kind = #tpu.reduction_kind<sum>} : vector<16xi1> -> vector<16xi32>
          %add3A_180 = arith.addi %while3A_147, %all_reduce_population_count3A_179 : vector<16xi32>
          %mul3A_181 = arith.constant 16 : i32
          %mul3A_182 = arith.muli %while3A_145, %mul3A_181 : i32
          %get3A_183 = arith.index_cast %mul3A_182 : i32 to index
          %get3A_184 = tpu.vector_load %arg11[%get3A_183] {strides = array<i32>} : memref<272xi32, #tpu.memory_space<vmem>>, vector<16xi32>,
          %le3A_185 = arith.cmpi sle, %get3A_184, %add3A_115 : vector<16xi32>
          %all_reduce_population_count3A_186 = tpu.all_reduce %le3A_185 {dim = 0 : i64, kind = #tpu.reduction_kind<sum>} : vector<16xi1> -> vector<16xi32>
          %add3A_187 = arith.addi %add3A_180, %all_reduce_population_count3A_186 : vector<16xi32>
          %mul3A_188 = arith.constant 16 : i32
          %mul3A_189 = arith.muli %while3A_145, %mul3A_188 : i32
          %get3A_190 = arith.index_cast %mul3A_189 : i32 to index
          %get3A_191 = tpu.vector_load %arg12[%get3A_190] {strides = array<i32>} : memref<272xi32, #tpu.memory_space<vmem>>, vector<16xi32>,
          %le3A_192 = arith.cmpi sle, %get3A_191, %add3A_115 : vector<16xi32>
          %all_reduce_population_count3A_193 = tpu.all_reduce %le3A_192 {dim = 0 : i64, kind = #tpu.reduction_kind<sum>} : vector<16xi1> -> vector<16xi32>
          %add3A_194 = arith.addi %add3A_187, %all_reduce_population_count3A_193 : vector<16xi32>
          %mul3A_195 = arith.constant 16 : i32
          %mul3A_196 = arith.muli %while3A_145, %mul3A_195 : i32
          %get3A_197 = arith.index_cast %mul3A_196 : i32 to index
          %get3A_198 = tpu.vector_load %arg13[%get3A_197] {strides = array<i32>} : memref<272xi32, #tpu.memory_space<vmem>>, vector<16xi32>,
          %le3A_199 = arith.cmpi sle, %get3A_198, %add3A_115 : vector<16xi32>
          %all_reduce_population_count3A_200 = tpu.all_reduce %le3A_199 {dim = 0 : i64, kind = #tpu.reduction_kind<sum>} : vector<16xi1> -> vector<16xi32>
          %add3A_201 = arith.addi %add3A_194, %all_reduce_population_count3A_200 : vector<16xi32>
          scf.yield %add3A_173, %add3A_201 : vector<16xi32>, vector<16xi32>
        }
        %add3A_126 = arith.addi %scan3A_13#4, %while3A_125#0 : vector<16xi32>
        %ge3A = arith.constant 256 : i32
        %ge3A_127 = vector.broadcast %ge3A : i32 to vector<16xi32>
        %ge3A_128 = arith.cmpi sge, %add3A_126, %ge3A_127 : vector<16xi32>
        %add3A_129 = arith.constant 1 : i32
        %add3A_130 = vector.broadcast %add3A_129 : i32 to vector<16xi32>
        %add3A_131 = arith.addi %add3A_110, %add3A_130 : vector<16xi32>
        %select_n3A_132 = arith.select %ge3A_128, %scan3A_101, %add3A_131 : vector<16xi1>, vector<16xi32>
        %select_n3A_133 = arith.select %ge3A_128, %add3A_110, %scan3A_103 : vector<16xi1>, vector<16xi32>
        %select_n3A_134 = arith.select %ge3A_128, %scan3A_105, %add3A_126 : vector<16xi1>, vector<16xi32>
        %add3A_135 = arith.addi %scan3A_13#5, %while3A_125#1 : vector<16xi32>
        %ge3A_136 = arith.constant 256 : i32
        %ge3A_137 = vector.broadcast %ge3A_136 : i32 to vector<16xi32>
        %ge3A_138 = arith.cmpi sge, %add3A_135, %ge3A_137 : vector<16xi32>
        %add3A_139 = arith.constant 1 : i32
        %add3A_140 = vector.broadcast %add3A_139 : i32 to vector<16xi32>
        %add3A_141 = arith.addi %add3A_115, %add3A_140 : vector<16xi32>
        %select_n3A_142 = arith.select %ge3A_138, %scan3A_102, %add3A_141 : vector<16xi1>, vector<16xi32>
        %select_n3A_143 = arith.select %ge3A_138, %add3A_115, %scan3A_104 : vector<16xi1>, vector<16xi32>
        %select_n3A_144 = arith.select %ge3A_138, %scan3A_106, %add3A_135 : vector<16xi1>, vector<16xi32>
        scf.yield %select_n3A_132, %select_n3A_142, %select_n3A_133, %select_n3A_143, %select_n3A_134, %select_n3A_144 : vector<16xi32>, vector<16xi32>, vector<16xi32>, vector<16xi32>, vector<16xi32>, vector<16xi32>
      }
      %scan3A_99 = arith.constant 17 : i32
      scf.yield %scan3A_98#0, %scan3A_98#1, %scan3A_98#4, %scan3A_98#5 : vector<16xi32>, vector<16xi32>, vector<16xi32>, vector<16xi32>
    }
    "tpu.trace_stop"() : () -> ()
    %sub3A = arith.constant 256 : i32
    %sub3A_55 = vector.broadcast %sub3A : i32 to vector<16xi32>
    %sub3A_56 = arith.subi %sub3A_55, %cond3A_54#2 : vector<16xi32>
    %sub3A_57 = arith.constant 256 : i32
    %sub3A_58 = vector.broadcast %sub3A_57 : i32 to vector<16xi32>
    %sub3A_59 = arith.subi %sub3A_58, %cond3A_54#3 : vector<16xi32>
    "tpu.trace_start"() <{level = 10 : i32, message = "p4_mask"}> : () -> ()
    %scan3A_60 = arith.constant 0 : i32
    %scan3A_61 = arith.constant 32 : i32
    %scan3A_62 = arith.addi %scan3A_60, %scan3A_61 : i32
    %scan3A_63 = arith.constant 1 : i32
    %scan3A_64:2 = scf.for %scan3A_66 = %scan3A_60 to %scan3A_62 step %scan3A_63 iter_args(%scan3A_67 = %broadcast_in_dim3A_3, %scan3A_68 = %broadcast_in_dim3A_3) -> (vector<16xi32>, vector<16xi32>)  : i32 {
      %mul3A_69 = arith.constant 2 : i32
      %mul3A_70 = arith.muli %scan3A_66, %mul3A_69 : i32
      %add3A_71 = arith.constant 0 : i32
      %add3A_72 = arith.addi %mul3A_70, %add3A_71 : i32
      %mul3A_73 = arith.constant 16 : i32
      %mul3A_74 = arith.muli %add3A_72, %mul3A_73 : i32
      %get3A = arith.constant 0 : i32
      %get3A_75 = arith.index_cast %get3A : i32 to index
      %get3A_76 = arith.index_cast %mul3A_74 : i32 to index
      %get3A_77 = tpu.vector_load %arg4[%get3A_75, %get3A_76] {strides = array<i32>} : memref<2x1024xf32, #tpu.memory_space<vmem>>, vector<16xf32>,
      %bitcast3A = vector.bitcast %get3A_77 : vector<16xf32> to vector<16xi32>
      %eq3A = arith.cmpi eq, %bitcast3A, %cond3A_54#0 : vector<16xi32>
      %convert_element_type3A_78 = arith.extui %eq3A : vector<16xi1> to vector<16xi32>
      %cumsum3A = arith.constant true
      %cumsum3A_79 = vector.broadcast %cumsum3A : i1 to vector<16xi1>
      %cumsum3A_80 = tpu.scan <sum>, %convert_element_type3A_78 masked %cumsum3A_79 : vector<16xi32>, vector<16xi1> -> vector<16xi32>
      %sub3A_81 = arith.subi %cumsum3A_80, %convert_element_type3A_78 : vector<16xi32>
      %add3A_82 = arith.addi %sub3A_81, %scan3A_67 : vector<16xi32>
      %lt3A = arith.cmpi slt, %bitcast3A, %cond3A_54#0 : vector<16xi32>
      %lt3A_83 = arith.cmpi slt, %add3A_82, %sub3A_56 : vector<16xi32>
      %and3A_84 = arith.andi %eq3A, %lt3A_83 : vector<16xi1>
      %or3A = arith.ori %lt3A, %and3A_84 : vector<16xi1>
      %convert_element_type3A_85 = arith.extui %or3A : vector<16xi1> to vector<16xi32>
      %convert_element_type3A_86 = arith.sitofp %convert_element_type3A_85 : vector<16xi32> to vector<16xf32>
      %mul3A_87 = arith.constant 2 : i32
      %mul3A_88 = arith.muli %scan3A_66, %mul3A_87 : i32
      %add3A_89 = arith.constant 0 : i32
      %add3A_90 = arith.addi %mul3A_88, %add3A_89 : i32
      %mul3A_91 = arith.constant 16 : i32
      %mul3A_92 = arith.muli %add3A_90, %mul3A_91 : i32
      %swap3A_93 = arith.constant 0 : i32
      %swap3A_94 = arith.index_cast %swap3A_93 : i32 to index
      %swap3A_95 = arith.index_cast %mul3A_92 : i32 to index
      %swap3A_96 = tpu.vector_load %arg5[%swap3A_94, %swap3A_95] {strides = array<i32>} : memref<2x1024xf32, #tpu.memory_space<vmem>>, vector<16xf32>,
      tpu.vector_store %arg5[%swap3A_94, %swap3A_95], %convert_element_type3A_86 {strides = array<i32>} : memref<2x1024xf32, #tpu.memory_space<vmem>>, vector<16xf32>,
      %all_reduce_population_count3A = tpu.all_reduce %eq3A {dim = 0 : i64, kind = #tpu.reduction_kind<sum>} : vector<16xi1> -> vector<16xi32>
      %add3A_97 = arith.addi %scan3A_67, %all_reduce_population_count3A : vector<16xi32>
      %mul3A_98 = arith.constant 2 : i32
      %mul3A_99 = arith.muli %scan3A_66, %mul3A_98 : i32
      %add3A_100 = arith.constant 1 : i32
      %add3A_101 = arith.addi %mul3A_99, %add3A_100 : i32
      %mul3A_102 = arith.constant 16 : i32
      %mul3A_103 = arith.muli %add3A_101, %mul3A_102 : i32
      %get3A_104 = arith.constant 0 : i32
      %get3A_105 = arith.index_cast %get3A_104 : i32 to index
      %get3A_106 = arith.index_cast %mul3A_103 : i32 to index
      %get3A_107 = tpu.vector_load %arg4[%get3A_105, %get3A_106] {strides = array<i32>} : memref<2x1024xf32, #tpu.memory_space<vmem>>, vector<16xf32>,
      %bitcast3A_108 = vector.bitcast %get3A_107 : vector<16xf32> to vector<16xi32>
      %eq3A_109 = arith.cmpi eq, %bitcast3A_108, %cond3A_54#0 : vector<16xi32>
      %convert_element_type3A_110 = arith.extui %eq3A_109 : vector<16xi1> to vector<16xi32>
      %cumsum3A_111 = arith.constant true
      %cumsum3A_112 = vector.broadcast %cumsum3A_111 : i1 to vector<16xi1>
      %cumsum3A_113 = tpu.scan <sum>, %convert_element_type3A_110 masked %cumsum3A_112 : vector<16xi32>, vector<16xi1> -> vector<16xi32>
      %sub3A_114 = arith.subi %cumsum3A_113, %convert_element_type3A_110 : vector<16xi32>
      %add3A_115 = arith.addi %sub3A_114, %add3A_97 : vector<16xi32>
      %lt3A_116 = arith.cmpi slt, %bitcast3A_108, %cond3A_54#0 : vector<16xi32>
      %lt3A_117 = arith.cmpi slt, %add3A_115, %sub3A_56 : vector<16xi32>
      %and3A_118 = arith.andi %eq3A_109, %lt3A_117 : vector<16xi1>
      %or3A_119 = arith.ori %lt3A_116, %and3A_118 : vector<16xi1>
      %convert_element_type3A_120 = arith.extui %or3A_119 : vector<16xi1> to vector<16xi32>
      %convert_element_type3A_121 = arith.sitofp %convert_element_type3A_120 : vector<16xi32> to vector<16xf32>
      %mul3A_122 = arith.constant 2 : i32
      %mul3A_123 = arith.muli %scan3A_66, %mul3A_122 : i32
      %add3A_124 = arith.constant 1 : i32
      %add3A_125 = arith.addi %mul3A_123, %add3A_124 : i32
      %mul3A_126 = arith.constant 16 : i32
      %mul3A_127 = arith.muli %add3A_125, %mul3A_126 : i32
      %swap3A_128 = arith.constant 0 : i32
      %swap3A_129 = arith.index_cast %swap3A_128 : i32 to index
      %swap3A_130 = arith.index_cast %mul3A_127 : i32 to index
      %swap3A_131 = tpu.vector_load %arg5[%swap3A_129, %swap3A_130] {strides = array<i32>} : memref<2x1024xf32, #tpu.memory_space<vmem>>, vector<16xf32>,
      tpu.vector_store %arg5[%swap3A_129, %swap3A_130], %convert_element_type3A_121 {strides = array<i32>} : memref<2x1024xf32, #tpu.memory_space<vmem>>, vector<16xf32>,
      %all_reduce_population_count3A_132 = tpu.all_reduce %eq3A_109 {dim = 0 : i64, kind = #tpu.reduction_kind<sum>} : vector<16xi1> -> vector<16xi32>
      %add3A_133 = arith.addi %add3A_97, %all_reduce_population_count3A_132 : vector<16xi32>
      %mul3A_134 = arith.constant 2 : i32
      %mul3A_135 = arith.muli %scan3A_66, %mul3A_134 : i32
      %add3A_136 = arith.constant 0 : i32
      %add3A_137 = arith.addi %mul3A_135, %add3A_136 : i32
      %mul3A_138 = arith.constant 16 : i32
      %mul3A_139 = arith.muli %add3A_137, %mul3A_138 : i32
      %get3A_140 = arith.constant 1 : i32
      %get3A_141 = arith.index_cast %get3A_140 : i32 to index
      %get3A_142 = arith.index_cast %mul3A_139 : i32 to index
      %get3A_143 = tpu.vector_load %arg4[%get3A_141, %get3A_142] {strides = array<i32>} : memref<2x1024xf32, #tpu.memory_space<vmem>>, vector<16xf32>,
      %bitcast3A_144 = vector.bitcast %get3A_143 : vector<16xf32> to vector<16xi32>
      %eq3A_145 = arith.cmpi eq, %bitcast3A_144, %cond3A_54#1 : vector<16xi32>
      %convert_element_type3A_146 = arith.extui %eq3A_145 : vector<16xi1> to vector<16xi32>
      %cumsum3A_147 = arith.constant true
      %cumsum3A_148 = vector.broadcast %cumsum3A_147 : i1 to vector<16xi1>
      %cumsum3A_149 = tpu.scan <sum>, %convert_element_type3A_146 masked %cumsum3A_148 : vector<16xi32>, vector<16xi1> -> vector<16xi32>
      %sub3A_150 = arith.subi %cumsum3A_149, %convert_element_type3A_146 : vector<16xi32>
      %add3A_151 = arith.addi %sub3A_150, %scan3A_68 : vector<16xi32>
      %lt3A_152 = arith.cmpi slt, %bitcast3A_144, %cond3A_54#1 : vector<16xi32>
      %lt3A_153 = arith.cmpi slt, %add3A_151, %sub3A_59 : vector<16xi32>
      %and3A_154 = arith.andi %eq3A_145, %lt3A_153 : vector<16xi1>
      %or3A_155 = arith.ori %lt3A_152, %and3A_154 : vector<16xi1>
      %convert_element_type3A_156 = arith.extui %or3A_155 : vector<16xi1> to vector<16xi32>
      %convert_element_type3A_157 = arith.sitofp %convert_element_type3A_156 : vector<16xi32> to vector<16xf32>
      %mul3A_158 = arith.constant 2 : i32
      %mul3A_159 = arith.muli %scan3A_66, %mul3A_158 : i32
      %add3A_160 = arith.constant 0 : i32
      %add3A_161 = arith.addi %mul3A_159, %add3A_160 : i32
      %mul3A_162 = arith.constant 16 : i32
      %mul3A_163 = arith.muli %add3A_161, %mul3A_162 : i32
      %swap3A_164 = arith.constant 1 : i32
      %swap3A_165 = arith.index_cast %swap3A_164 : i32 to index
      %swap3A_166 = arith.index_cast %mul3A_163 : i32 to index
      %swap3A_167 = tpu.vector_load %arg5[%swap3A_165, %swap3A_166] {strides = array<i32>} : memref<2x1024xf32, #tpu.memory_space<vmem>>, vector<16xf32>,
      tpu.vector_store %arg5[%swap3A_165, %swap3A_166], %convert_element_type3A_157 {strides = array<i32>} : memref<2x1024xf32, #tpu.memory_space<vmem>>, vector<16xf32>,
      %all_reduce_population_count3A_168 = tpu.all_reduce %eq3A_145 {dim = 0 : i64, kind = #tpu.reduction_kind<sum>} : vector<16xi1> -> vector<16xi32>
      %add3A_169 = arith.addi %scan3A_68, %all_reduce_population_count3A_168 : vector<16xi32>
      %mul3A_170 = arith.constant 2 : i32
      %mul3A_171 = arith.muli %scan3A_66, %mul3A_170 : i32
      %add3A_172 = arith.constant 1 : i32
      %add3A_173 = arith.addi %mul3A_171, %add3A_172 : i32
      %mul3A_174 = arith.constant 16 : i32
      %mul3A_175 = arith.muli %add3A_173, %mul3A_174 : i32
      %get3A_176 = arith.constant 1 : i32
      %get3A_177 = arith.index_cast %get3A_176 : i32 to index
      %get3A_178 = arith.index_cast %mul3A_175 : i32 to index
      %get3A_179 = tpu.vector_load %arg4[%get3A_177, %get3A_178] {strides = array<i32>} : memref<2x1024xf32, #tpu.memory_space<vmem>>, vector<16xf32>,
      %bitcast3A_180 = vector.bitcast %get3A_179 : vector<16xf32> to vector<16xi32>
      %eq3A_181 = arith.cmpi eq, %bitcast3A_180, %cond3A_54#1 : vector<16xi32>
      %convert_element_type3A_182 = arith.extui %eq3A_181 : vector<16xi1> to vector<16xi32>
      %cumsum3A_183 = arith.constant true
      %cumsum3A_184 = vector.broadcast %cumsum3A_183 : i1 to vector<16xi1>
      %cumsum3A_185 = tpu.scan <sum>, %convert_element_type3A_182 masked %cumsum3A_184 : vector<16xi32>, vector<16xi1> -> vector<16xi32>
      %sub3A_186 = arith.subi %cumsum3A_185, %convert_element_type3A_182 : vector<16xi32>
      %add3A_187 = arith.addi %sub3A_186, %add3A_169 : vector<16xi32>
      %lt3A_188 = arith.cmpi slt, %bitcast3A_180, %cond3A_54#1 : vector<16xi32>
      %lt3A_189 = arith.cmpi slt, %add3A_187, %sub3A_59 : vector<16xi32>
      %and3A_190 = arith.andi %eq3A_181, %lt3A_189 : vector<16xi1>
      %or3A_191 = arith.ori %lt3A_188, %and3A_190 : vector<16xi1>
      %convert_element_type3A_192 = arith.extui %or3A_191 : vector<16xi1> to vector<16xi32>
      %convert_element_type3A_193 = arith.sitofp %convert_element_type3A_192 : vector<16xi32> to vector<16xf32>
      %mul3A_194 = arith.constant 2 : i32
      %mul3A_195 = arith.muli %scan3A_66, %mul3A_194 : i32
      %add3A_196 = arith.constant 1 : i32
      %add3A_197 = arith.addi %mul3A_195, %add3A_196 : i32
      %mul3A_198 = arith.constant 16 : i32
      %mul3A_199 = arith.muli %add3A_197, %mul3A_198 : i32
      %swap3A_200 = arith.constant 1 : i32
      %swap3A_201 = arith.index_cast %swap3A_200 : i32 to index
      %swap3A_202 = arith.index_cast %mul3A_199 : i32 to index
      %swap3A_203 = tpu.vector_load %arg5[%swap3A_201, %swap3A_202] {strides = array<i32>} : memref<2x1024xf32, #tpu.memory_space<vmem>>, vector<16xf32>,
      tpu.vector_store %arg5[%swap3A_201, %swap3A_202], %convert_element_type3A_193 {strides = array<i32>} : memref<2x1024xf32, #tpu.memory_space<vmem>>, vector<16xf32>,
      %all_reduce_population_count3A_204 = tpu.all_reduce %eq3A_181 {dim = 0 : i64, kind = #tpu.reduction_kind<sum>} : vector<16xi1> -> vector<16xi32>
      %add3A_205 = arith.addi %add3A_169, %all_reduce_population_count3A_204 : vector<16xi32>
      scf.yield %add3A_133, %add3A_205 : vector<16xi32>, vector<16xi32>
    }
    %scan3A_65 = arith.constant 32 : i32
    "tpu.trace_stop"() : () -> ()
    "tpu.region"() ({
      %run_scoped3A = tpu.sem_alloc : memref<!tpu.dma_semaphore, #tpu.memory_space<semaphore_mem>>
      %dma_start3A = arith.constant 0 : i32
      %dma_start3A_66 = tpu.memref_slice %arg3[%mul3A_2, %dma_start3A] : memref<64x1024xf32, #tpu.memory_space<hbm>> -> memref<2x1024xf32, #tpu.memory_space<hbm>>
      %dma_start3A_67 = arith.constant 0 : i32
      %dma_start3A_68 = tpu.memref_slice %arg3[%mul3A_2, %dma_start3A_67] : memref<64x1024xf32, #tpu.memory_space<hbm>> -> memref<2x1024xf32, #tpu.memory_space<hbm>>
      tpu.enqueue_dma source(%arg5 : memref<2x1024xf32, #tpu.memory_space<vmem>>) target(%dma_start3A_68 : memref<2x1024xf32, #tpu.memory_space<hbm>>) target_semaphore(%run_scoped3A : memref<!tpu.dma_semaphore, #tpu.memory_space<semaphore_mem>>)
      %dma_wait3A = arith.constant 0 : i32
      %dma_wait3A_69 = tpu.memref_slice %arg3[%mul3A_2, %dma_wait3A] : memref<64x1024xf32, #tpu.memory_space<hbm>> -> memref<2x1024xf32, #tpu.memory_space<hbm>>
      %dma_wait3A_70 = arith.constant 0 : i32
      %dma_wait3A_71 = tpu.memref_slice %arg3[%mul3A_2, %dma_wait3A_70] : memref<64x1024xf32, #tpu.memory_space<hbm>> -> memref<2x1024xf32, #tpu.memory_space<hbm>>
      tpu.wait_dma2 semaphore(%run_scoped3A : memref<!tpu.dma_semaphore, #tpu.memory_space<semaphore_mem>>) src(%arg5 : memref<2x1024xf32, #tpu.memory_space<vmem>>) dst(%dma_wait3A_71 : memref<2x1024xf32, #tpu.memory_space<hbm>>)
      tpu.yield
    }) : () -> ()
    return
  }
}

</mosaic_0001>

<sc_bundles>
// kernel: kernel.3.cloned.1.call-start
scs
__scs_entry_jumppad:
0x0: {  	(pc) =	sbr.rel $0x88, $3  }
0x1: {  	(tag) =	ssettag $0x0;
	lr =	simm.s32 $0x1  }
0x2: {  	[smem:$0x3FA0] =	sst lr;
	_ =	strace $0xD0000000  }
0x3: {  	_ = 	snop  }
0x4: {  	_ = 	snop  }
0x5: {  	_ = 	snop  }
0x6: {  	_ = 	snop  }
0x7: {  	_ = 	snop  }
__scs_overlays_trampoline_lowered:
0x8: {  	[smem:$0x3FAF] =	sst s0  }
0x9: {  	[smem:$0x3FB0] =	sst s1  }
0xa: {  	[smem:$0x3FB1] =	sst s2  }
0xb: {  	[smem:$0x3FB2] =	sst s3  }
0xc: {  	[smem:$0x3FB3] =	sst s4  }
0xd: {  	[smem:$0x3FB4] =	sst s5  }
0xe: {  	[smem:$0x3FB5] =	sst s6  }
0xf: {  	[smem:$0x3FB6] =	sst s7  }
0x10: {  	[smem:$0x3FB7] =	sst s8  }
0x11: {  	[smem:$0x3FB8] =	sst s9;
	s0 =	simm.s32 @!p0 $0x0  }
0x12: {  	s1 =	sld [smem:$0x3F9E];
	s0 =	simm.s32 @p0 $0x1  }
0x13: {  	[smem:$0x3FB9] =	sst s0;
	s0 =	simm.s32 @!p1 $0x0  }
0x14: {  	s2 =	sld [smem:$0x3F9D];
	s0 =	simm.s32 @p1 $0x1  }
0x15: {  	[smem:$0x3FBA] =	sst s0;
	s0 =	simm.s32 @!p2 $0x0  }
0x16: {  	s3 =	sld [smem:$0x3FDB];
	s0 =	simm.s32 @p2 $0x1  }
0x17: {  	s4 =	simm.s32 $0x1BF5;
	[smem:$0x3FBC] =	sst s0  }
0x18: {  	s0 =	sld [smem:$0x3F9F];
	_ =	swait.ge [sflag:s4], $0x0  }
0x19: {  	s7 =	sld [smem:$0x3FA0]  }
0x1a: {  	s8 =	sadd.s32 $0xFFFFE003, lr  }
0x1b: {  	s9 =	sadd.s32 $0xFFFFFEF7, lr;
	s5 =	simm.s32 $0xFFFFFFFF;
	p2 =	slt.u32 s8, $0xFFFFF086  }
0x1c: {  	p1 =	slt.u32 s9, $0xF7A;
	s5 =	simm.s32 @!p2 $0x0  }
0x1d: {  	s5 =	simm.s32 @p1 $0x1;
	p0 =	seq.s32 s7, s2  }
0x1e: {  	s7 =	smul.u32 @!p0 $0xF7A, s2;
	p2 =	seq.s32 @!p0 s5, $0x0  }
0x1f: {  	s9 =	smul.u32 $0xF7A, s1;
	s8 =	simm.s32 @!p0 $0x1BF5;
	p2 =	por !p2, p0  }
0x20: {  	[sflag:s8] =	ssyncset.s32 @!p0 $0xFFFFF086;
	s6 =	sadd.s32 @!p0 s3, s7;
	s7 =	simm.s32 @!p0 $0x108  }
0x21: {  	s3 =	sadd.s32 s3, s9;
	s6 =	sadd.s32 @!p0 $0x88, s6;
	s7 =	simm.s32 @p2 $0x1082  }
0x22: {  	[simem:s7], [sflag:s8] =	dma.local @!p0 [hbm:s6], $0xF7A  }
0x23: {  	s9 =	sor.u32 $0xD0000000, s2;
	s6 =	simm.s32 $0x108;
	_ =	swait.ge @!p0 [sflag:s8], $0x0  }
0x24: {  	s3 =	sadd.s32 $0x88, s3;
	s6 =	simm.s32 @!p1 $0x1082;
	[sflag:s4] =	ssyncset.s32 $0xFFFFF086  }
0x25: {  	[simem:s6], [sflag:s4] =	dma.local [hbm:s3], $0xF7A  }
0x26: {  	[smem:$0x3FA0] =	sst s1;
	(tag) =	ssettag s2;
	_ =	strace s9  }
0x27: {  	s1 =	sld [smem:$0x3FB0]  }
0x28: {  	s2 =	sld [smem:$0x3FB1]  }
0x29: {  	s4 =	sld [smem:$0x3FB3]  }
0x2a: {  	p0 =	seq.s32 s5, $0x0;
	s5 =	sld [smem:$0x3FB4]  }
0x2b: {  	s6 =	sld [smem:$0x3FB5]  }
0x2c: {  	s7 =	sld [smem:$0x3FB6]  }
0x2d: {  	s3 =	simm.s32 $0x108;
	s8 =	sld [smem:$0x3FB7]  }
0x2e: {  	s3 =	simm.s32 @!p0 $0x1082;
	s9 =	sld [smem:$0x3FB8]  }
0x2f: {  	lr =	sadd.s32 s0, s3;
	s0 =	sld [smem:$0x3FAF]  }
0x30: {  	s3 =	sld [smem:$0x3FB2]  }
0x31: {  	[smem:$0x3FBB] =	sst s10  }
0x32: {  	s10 =	sld [smem:$0x3FB9];
	_ =	sdelay $0x3  }
0x33: {  	p0 =	seq.s32 s10, $0x1;
	s10 =	sld [smem:$0x3FBB];
	_ =	sdelay $0x3  }
0x34: {  	[smem:$0x3FBB] =	sst s10  }
0x35: {  	s10 =	sld [smem:$0x3FBA];
	_ =	sdelay $0x3  }
0x36: {  	p1 =	seq.s32 s10, $0x1;
	s10 =	sld [smem:$0x3FBB];
	_ =	sdelay $0x3  }
0x37: {  	[smem:$0x3FBB] =	sst s10  }
0x38: {  	s10 =	sld [smem:$0x3FBC]  }
0x39: {  	_ = 	snop;
	(pc) =	sbr.ind lr, $3  }
0x3a: {  	_ = 	snop  }
0x3b: {  	_ = 	snop  }
0x3c: {  	p2 =	seq.s32 s10, $0x1;
	s10 =	sld [smem:$0x3FBB]  }
0x3d: {  	_ =	shalt  }
0x3e: {  	_ =	shalt  }
0x3f: {  	_ =	shalt  }
0x40: {  	_ =	shalt  }
0x41: {  	_ =	shalt  }
0x42: {  	_ =	shalt  }
0x43: {  	_ =	shalt  }
0x44: {  	_ =	shalt  }
0x45: {  	_ =	shalt  }
0x46: {  	_ =	shalt  }
0x47: {  	_ =	shalt  }
0x48: {  	_ =	shalt  }
0x49: {  	_ =	shalt  }
0x4a: {  	_ =	shalt  }
0x4b: {  	_ =	shalt  }
0x4c: {  	_ =	shalt  }
0x4d: {  	_ =	shalt  }
0x4e: {  	_ =	shalt  }
0x4f: {  	_ =	shalt  }
0x50: {  	_ =	shalt  }
0x51: {  	_ =	shalt  }
0x52: {  	_ =	shalt  }
0x53: {  	_ =	shalt  }
0x54: {  	_ =	shalt  }
0x55: {  	_ =	shalt  }
0x56: {  	_ =	shalt  }
0x57: {  	_ =	shalt  }
0x58: {  	_ =	shalt  }
0x59: {  	_ =	shalt  }
0x5a: {  	_ =	shalt  }
0x5b: {  	_ =	shalt  }
0x5c: {  	_ =	shalt  }
0x5d: {  	_ =	shalt  }
0x5e: {  	_ =	shalt  }
0x5f: {  	_ =	shalt  }
0x60: {  	_ =	shalt  }
0x61: {  	_ =	shalt  }
0x62: {  	_ =	shalt  }
0x63: {  	_ =	shalt  }
0x64: {  	_ =	shalt  }
0x65: {  	_ =	shalt  }
0x66: {  	_ =	shalt  }
0x67: {  	_ =	shalt  }
0x68: {  	_ =	shalt  }
0x69: {  	_ =	shalt  }
0x6a: {  	_ =	shalt  }
0x6b: {  	_ =	shalt  }
0x6c: {  	_ =	shalt  }
0x6d: {  	_ =	shalt  }
0x6e: {  	_ =	shalt  }
0x6f: {  	_ =	shalt  }
0x70: {  	_ =	shalt  }
0x71: {  	_ =	shalt  }
0x72: {  	_ =	shalt  }
0x73: {  	_ =	shalt  }
0x74: {  	_ =	shalt  }
0x75: {  	_ =	shalt  }
0x76: {  	_ =	shalt  }
0x77: {  	_ =	shalt  }
0x78: {  	_ =	shalt  }
0x79: {  	_ =	shalt  }
0x7a: {  	_ =	shalt  }
0x7b: {  	_ =	shalt  }
0x7c: {  	_ =	shalt  }
0x7d: {  	_ =	shalt  }
0x7e: {  	_ =	shalt  }
0x7f: {  	_ =	shalt  }
0x80: {  	_ =	shalt  }
0x81: {  	_ =	shalt  }
0x82: {  	_ =	shalt  }
0x83: {  	_ =	shalt  }
0x84: {  	_ =	shalt  }
0x85: {  	_ =	shalt  }
0x86: {  	_ =	shalt  }
0x87: {  	_ =	shalt  }
.Lfunc_end0:
.L_simem_size_0:
called_computation_lowered:
.L_overlay_start_0:
0x88: {  	s2 =	sld [smem:$0x3FD9]  }
0x89: {  	s3 =	sld [smem:$0x3FFE];
	_ =	sdelay $0x1  }
0x8a: {  	s1 =	srdreg.scid  }
0x8b: {  	s0 =	sand.u32 $0x1, s1  }
0x8c: {  	s18 =	sshll.u32 s0, $0xA;
	s2 =	sadd.s32 s3, s2  }
0x8d: {  	s2 =	sadd.s32 s2, s18  }
0x8e: {  	[smem:$0x3FC7] =	sst s2  }
0x8f: {  	_ = 	snop  }
0x90: {  	s2 =	sld [smem:$0x3FC9]  }
0x91: {  	s19 =	sld [smem:$0x3FD0];
	(tm) =	ssettm $0x1  }
0x92: {  	s4 =	sld [smem:$0x3FFB];
	_ =	sdelay $0x3  }
0x93: {  	_ =	strace s4  }
0x94: {  	s4 =	sld [smem:$0x3FFC];
	_ =	sdelay $0x3  }
0x95: {  	_ =	strace s4  }
0x96: {  	s4 =	sld [smem:$0x3FFD];
	_ =	sdelay $0x3  }
0x97: {  	_ =	strace s4  }
0x98: {  	_ =	strace $0x8FFFFFFF  }
0x99: {  	s20 =	sld [smem:$0x3FDB];
	_ =	sdelay $0x1  }
0x9a: {  	s5 =	simm.s32 $_scs_section_size  }
0x9b: {  	s6 =	simm.s32 $_size__tile_overlayer_lowered;
	s7 =	simm.s32 $_tile_overlayer_lowered  }
0x9c: {  	s23 =	simm.s32 $0x1BFF;
	s22 =	sshll.u32 s7, $0x1;
	s4 =	sadd.s32 s5, s20  }
0x9d: {  	s8 =	simm.s32 $0x0;
	s21 =	sshll.u32 s6, $0x1;
	s6 =	sadd.s32 s22, s4  }
0x9e: {  	[timem:s8], [sflag:s23] =	dma.local [hbm:s6], s21  }
0x9f: {  	_ =	swait.ge [sflag:s23], s21  }
0xa0: {  	s5 =	ssub.s32 $0x0, s21;
	[sflag:s23] =	ssyncset.done $0x0  }
0xa1: {  	[sflag:s23] =	ssyncadd.s32 s5;
	_ =	sdelay $0x1  }
0xa2: {  	s24 =	simm.s32 $0x1B8B  }
0xa3: {  	_ =	swait.ge [sflag:s24], $0x1  }
0xa4: {  	[sflag:s24] =	ssyncset.done $0x0  }
0xa5: {  	s25 =	simm.s32 $0x1B8E;
	[sflag:s24] =	ssyncadd.s32 $0xFFFFFFFF  }
0xa6: {  	s26 =	simm.s32 $execute0_lowered;
	[smem:$0x3FD2] =	sst s25  }
0xa7: {  	s5 =	sshll.u32 s26, $0x1;
	_ =	strace $0x80000046;
	[dreg:$0x1] =	wrdreg $0xFFFFFFFF  }
0xa8: {  	s28 =	simm.s32 $_size_execute0_lowered;
	s4 =	sadd.s32 s4, s5;
	[dreg:$0x0] =	wrdreg $0x0  }
0xa9: {  	s5 =	sshll.u32 s28, $0x1;
	[dreg:$0x2] =	wrdreg s4  }
0xaa: {  	[dreg:$0x3] =	wrdreg s5  }
0xab: {  	[dreg:$0x4] =	wrdreg $0xC0  }
0xac: {  	_ =	task [dreg:s8], $0x5FFFF  }
0xad: {  	[dreg:$0x1] =	wrdreg $0xFFFFFFFF  }
0xae: {  	[dreg:$0x0] =	wrdreg $0x60  }
0xaf: {  	[dreg:$0x2] =	wrdreg s2  }
0xb0: {  	[dreg:$0x3] =	wrdreg s19  }
0xb1: {  	[dreg:$0x4] =	wrdreg $0x9  }
0xb2: {  	_ =	task.clear_ibuf [dreg:s8], $0x5FFFF;
	_ =	strace $0x90000046  }
0xb3: {  	s29 =	simm.s32 $0x9;
	_ =	strace $0x8000004C  }
0xb4: {  	_ =	swait.ge [sflag:s29], $0x1  }
0xb5: {  	[sflag:s29] =	ssyncadd.s32 $0xFFFFFFFF  }
0xb6: {  	_ =	strace $0x9000004C  }
0xb7: {  	_ =	sfence  }
0xb8: {  	s30 =	sld [smem:$0x0];
	_ =	sdelay $0x2  }
0xb9: {  	s31 =	sshll.u32 s1, $0xD;
	s1 =	sshrl.u32 s1, $0x2  }
0xba: {  	s3 =	sand.u32 $0x4000, s31;
	s1 =	sadd.s32 s1, s30  }
0xbb: {  	s0 =	sor.u32 s3, s0;
	s1 =	sshll.u32 s1, $0x11  }
0xbc: {  	s0 =	sor.u32 s1, s0  }
0xbd: {  	s0 =	sadd.s32 $0x8F2B, s0  }
0xbe: {  	[sflag:s0] =	ssyncadd.remote.s32 $0x1  }
0xbf: {  	_ =	sfence.sel $0xFFFF  }
0xc0: {  	[dreg:$0x0] =	wrdreg $0xFFFFFFFF;
	(pc) =	sbr.abs _section_cstart, $3  }
0xc1: {  	[dreg:$0x1] =	wrdreg $0xFFFFFFFF  }
0xc2: {  	_ =	task.clear_ibuf [dreg:s8], $0x2FFFF;
	_ =	strace $0x9FFFFFFF  }
0xc3: {  	(tm) =	ssettm $0x7FFFFFFF  }
tec
execute0_lowered:
.L_overlay_start_1:
0x0: {  	(tag) =	ssettag $0x1  }
0x1: {  	s0 =	rddreg [dreg:$0x0]  }
0x2: {  	s1 =	rddreg [dreg:$0x1]  }
0x3: {  	s3 =	srdreg.scid;
	s6 =	stileid.u32  }
0x4: {  	s2 =	simm.s32 $0x0;
	s7 =	simm.s32 $0x400;
	s8 =	simm.s32 $0x1  }
0x5: {  	s12 =	simm.s32 $0x0;
	s3 =	sand.u32 $0x1, s3;
	s4 =	sshll.u32 s6, $0x6  }
0x6: {  	s6 =	sshll.u32 s6, $0x9;
	[smem:$0x7FF] =	sst s2;
	s5 =	sshll.u32 s3, $0x5  }
0x7: {  	s4 =	sand.u32 $0x40, s4;
	s3 =	ssub.s32 $0x2, s3;
	s6 =	sand.u32 $0x1C00, s6  }
0x8: {  	_ =	strace $0x80000047;
	s4 =	sor.u32 s5, s4;
	s31 =	sshrl.u32 s3, $0x1  }
0x9: {  	s4 =	sor.u32 s6, s4;
	s5 =	ssub.s32 s3, s31;
	s6 =	simm.s32 $0x100  }
0xa: {  	v0 =	vimm.s32 $0x40000000;
	v1 =	vlaneseq.u32;
	v2 =	vimm.s32 $0x0;
	s3 =	sadd.s32 s0, s4;
	s4 =	sadd.s32 s1, s4;
	s5 =	smax.u32 s5, $0x1  }
.LBB2_1:
0xb: {  	[tilespmem:s2], [sflag:$0x1] =	stream.strided.gather [hbm4b:s3+s6], $0x800, s7, s6, $0x38;
	[tilespmem:$0x1D00] =	vst v63  }
0xc: {  	_ =	swait.ge [sflag:s8], $0x800  }
0xd: {  	[sflag:s8] =	ssyncset.done $0x0  }
0xe: {  	v7 =	vimm.s32 $0x3FFFFFFF;
	v5 =	vimm.s32 $0x0;
	v6 =	vimm.s32 $0x0;
	[sflag:s8] =	ssyncadd.s32 $0xFFFFF800  }
0xf: {  	v8 =	vimm.s32 $0x3FFFFFFF;
	v3 =	vimm.s32 $0x0;
	v4 =	vimm.s32 $0x0;
	s0 =	simm.s32 $0x0;
	_ =	strace $0x80000048  }
.LBB2_2:
0x10: {  	s1 =	simm.s32 $0x0  }
0x11: {  	s9 =	sand.u32 $0x40, s1;
	s1 =	sand.u32 $0x700, s1  }
0x12: {  	p0 =	por $0x0, $0x0;
	s1 =	sor.u32 s9, s1;
	s9 =	simm.s32 $0x1  }
0x13: {  	s9 =	simm.s32 @!p0 $0x0;
	v12 =	vld [tilespmem:s1+$0x30]  }
0x14: {  	v14 =	vld [tilespmem:s1+$0x20];
	s9 =	sshll.u32 s9, $0x6  }
0x15: {  	v19 =	vld [tilespmem:s1+$0x10];
	s9 =	sadd.s32 $0x0, s9  }
0x16: {  	v20 =	vld [tilespmem:s1+$0x0];
	s28 =	sor.u32 $0x80, s9;
	s10 =	sadd.s32 $0x30, s9  }
0x17: {  	s13 =	simm.s32 $0x40;
	s29 =	sadd.s32 $0x10, s9;
	v15 =	vld [tilespmem:s28+$0x0];
	s10 =	sor.u32 $0x80, s10  }
0x18: {  	v9 =	vsub.s32 v8, v4;
	v10 =	vsub.s32 v7, v3;
	s1 =	simm.s32 $0x80;
	s9 =	sadd.s32 $0x20, s9;
	s14 =	sor.u32 $0x80, s29;
	v11 =	vld [tilespmem:s10+$0x0]  }
0x19: {  	v9 =	vshra.s32 v9, $0x1;
	v13 =	vshra.s32 v10, $0x1;
	s30 =	sand.u32 $0x40, s13;
	s31 =	sand.u32 $0x700, s1;
	s9 =	sor.u32 $0x80, s9;
	v17 =	vld [tilespmem:s14+$0x0]  }
0x1a: {  	v16 =	vimm.s32 $0x0;
	v10 =	vadd.s32 v4, v9;
	v9 =	vadd.s32 v3, v13;
	p0 =	por !p0, !p0;
	s10 =	sor.u32 s30, s31;
	v18 =	vld [tilespmem:s9+$0x0];
	s9 =	simm.s32 $0x1  }
0x1b: {  	vm3 =	vle.s32 v12, v10;
	vm0 =	vle.s32 v14, v10;
	vm1 =	vle.s32 v20, v10;
	s9 =	simm.s32 @!p0 $0x0;
	v13 =	vld [tilespmem:s10+$0x30]  }
0x1c: {  	vm2 =	vle.s32 v19, v10;
	v19 =	vimm.s32 $0x0;
	v12 =	vld [tilespmem:s10+$0x20];
	v14 =	vmpcnt.ones.xlane vm3;
	s13 =	sshll.u32 s9, $0x6;
	s9 =	simm.s32 $0x80  }
.LBB2_3:
0x1d: {  	p1 =	sne.s32 s9, $0x3C0;
	s13 =	sadd.s32 s13, s1;
	v20 =	vld [tilespmem:s10+$0x10];
	v21 =	vmpcnt.ones.xlane vm2;
	v22 =	vmpcnt.ones.xlane vm0;
	vm0 =	vle.s32 v15, v9  }
0x1e: {  	v24 =	vmpcnt.ones.xlane vm1;
	v23 =	vld [tilespmem:s10+$0x0];
	s10 =	sor.u32 $0x80, s13;
	s14 =	sadd.s32 $0x30, s13;
	v25 =	vmpcnt.ones.xlane vm0;
	vm0 =	vle.s32 v17, v9  }
0x1f: {  	vm1 =	vle.s32 v11, v9;
	s1 =	sadd.s32 $0x80, s1;
	v15 =	vld [tilespmem:s10+$0x0];
	s10 =	sadd.s32 $0x10, s13;
	s14 =	sor.u32 $0x80, s14;
	v26 =	vmpcnt.ones.xlane vm0;
	vm0 =	vle.s32 v18, v9  }
.Ltmp0:
0x20: {  	s13 =	sadd.s32 $0x20, s13;
	v16 =	vadd.s32 v16, v24;
	s10 =	sor.u32 $0x80, s10;
	v11 =	vld [tilespmem:s14+$0x0];
	v18 =	vadd.s32 v19, v25;
	v19 =	vmpcnt.ones.xlane vm0;
	(pc) =	sbr.rel @p1 .LBB2_3-.Ltmp0, $4  }
0x21: {  	s15 =	sand.u32 $0x700, s1;
	v24 =	vmpcnt.ones.xlane vm1;
	s14 =	sand.u32 $0x40, s9;
	s13 =	sor.u32 $0x80, s13;
	v16 =	vadd.s32 v21, v16;
	v17 =	vld [tilespmem:s10+$0x0];
	v21 =	vadd.s32 v26, v18  }
0x22: {  	p0 =	por !p0, !p0;
	vm3 =	vle.s32 v13, v10;
	s10 =	sor.u32 s14, s15;
	v16 =	vadd.s32 v22, v16;
	v18 =	vld [tilespmem:s13+$0x0];
	v19 =	vadd.s32 v19, v21;
	s13 =	simm.s32 $0x1  }
0x23: {  	vm0 =	vle.s32 v12, v10;
	v16 =	vadd.s32 v14, v16;
	s13 =	simm.s32 @!p0 $0x0;
	v13 =	vld [tilespmem:s10+$0x30];
	v19 =	vadd.s32 v24, v19  }
0x24: {  	s9 =	sadd.s32 $0x40, s9;
	vm2 =	vle.s32 v20, v10;
	v14 =	vmpcnt.ones.xlane vm3;
	vm1 =	vle.s32 v23, v10;
	s13 =	sshll.u32 s13, $0x6;
	v12 =	vld [tilespmem:s10+$0x20]  }
0x25: {  	v20 =	vmpcnt.ones.xlane vm2;
	vm15 =	vle.s32 v15, v9  }
0x26: {  	s1 =	sadd.s32 s13, s1;
	v45 =	vld [tilespmem:s10+$0x10];
	v21 =	vmpcnt.ones.xlane vm1;
	v46 =	vmpcnt.ones.xlane vm0;
	vm6 =	vle.s32 v11, v9  }
0x27: {  	v23 =	vld [tilespmem:s10+$0x0];
	v22 =	vmpcnt.ones.xlane vm15;
	vm4 =	vle.s32 v17, v9;
	s9 =	sor.u32 $0x80, s1;
	s30 =	sadd.s32 $0x10, s1;
	v52 =	vmpcnt.ones.xlane vm6  }
0x28: {  	s31 =	sadd.s32 $0x30, s1;
	s1 =	sadd.s32 $0x20, s1;
	v24 =	vmpcnt.ones.xlane vm4;
	vm5 =	vle.s32 v18, v9;
	v47 =	vld [tilespmem:s9+$0x0];
	s10 =	sor.u32 $0x80, s30;
	v11 =	vadd.s32 v16, v21  }
0x29: {  	s1 =	sor.u32 $0x80, s1;
	v48 =	vadd.s32 v19, v22;
	v49 =	vmpcnt.ones.xlane vm5;
	v50 =	vld [tilespmem:s10+$0x0];
	v11 =	vadd.s32 v20, v11  }
0x2a: {  	s9 =	sor.u32 $0x80, s31;
	vm7 =	vle.s32 v13, v10;
	v53 =	vld [tilespmem:s1+$0x0];
	v16 =	vadd.s32 v24, v48;
	v11 =	vadd.s32 v46, v11  }
0x2b: {  	v51 =	vld [tilespmem:s9+$0x0];
	vm8 =	vle.s32 v12, v10;
	v54 =	vmpcnt.ones.xlane vm7;
	v16 =	vadd.s32 v49, v16  }
0x2c: {  	v11 =	vadd.s32 v14, v11;
	vm9 =	vle.s32 v23, v10;
	vm3 =	vle.s32 v45, v10  }
0x2d: {  	v57 =	vmpcnt.ones.xlane vm8;
	v55 =	vadd.s32 v52, v16;
	v56 =	vmpcnt.ones.xlane vm9  }
0x2e: {  	v15 =	vmpcnt.ones.xlane vm3;
	vm10 =	vle.s32 v47, v9;
	vm11 =	vle.s32 v50, v9  }
0x2f: {  	v18 =	vmpcnt.ones.xlane vm10;
	v11 =	vadd.s32 v11, v56;
	vm12 =	vle.s32 v53, v9  }
0x30: {  	s0 =	sadd.s32 $0x1, s0;
	vm13 =	vle.s32 v51, v9;
	v58 =	vmpcnt.ones.xlane vm11;
	v11 =	vadd.s32 v15, v11  }
0x31: {  	p0 =	sne.s32 s0, $0xD;
	v60 =	vmpcnt.ones.xlane vm12;
	v59 =	vadd.s32 v55, v18;
	v11 =	vadd.s32 v57, v11  }
.Ltmp1:
0x32: {  	v61 =	vmpcnt.ones.xlane vm13;
	v13 =	vadd.s32 v58, v59;
	v11 =	vadd.s32 v54, v11;
	(pc) =	sbr.rel @p0 .LBB2_2-.Ltmp1, $4  }
0x33: {  	v63 =	vadd.s32 $0x1, v10;
	v62 =	vadd.s32 v60, v13;
	vm14 =	vgt.s32 v11, $0xFF  }
0x34: {  	v12 =	vadd.s32 v61, v62;
	v4 =	vsel vm14, v4, v63;
	v8 =	vsel vm14, v10, v8  }
0x35: {  	v6 =	vsel vm14, v6, v11;
	v10 =	vadd.s32 $0x1, v9;
	vm15 =	vgt.s32 v12, $0xFF  }
0x36: {  	v3 =	vsel vm15, v3, v10;
	v7 =	vsel vm15, v9, v7;
	v5 =	vsel vm15, v5, v12  }
0x37: {  	s21 =	simm.s32 $0x0  }
0x38: {  	_ =	strace $0x90000048;
	s1 =	sand.u32 $0x70, s21;
	s9 =	sand.u32 $0x100, s21  }
0x39: {  	_ =	strace $0x80000049;
	s10 =	sor.u32 s1, s9  }
0x3a: {  	v9 =	vld [tilespmem:s10+$0x0];
	_ =	sdelay $0x4  }
0x3b: {  	vm0 =	vge.s32 v9, v4;
	vm1 =	vle.s32 v9, v8  }
0x3c: {  	vm0 =	vmand vm0, vm1  }
0x3d: {  	v10 =	vmpcnt.ones.xlane vm0;
	_ =	sdelay $0x1  }
0x3e: {  	(v2sf) =	vpush v10, $0x0;
	_ =	sdelay $0xe  }
0x3f: {  	s0 =	spop (v2sf)  }
0x40: {  	p0 =	slt.s32 s0, $0x1  }
0x41: {  	s1 =	sadd.s32 s1, s9;
	[tilespmem:s21+$0x1000] =	vst.msk @!p0 vm0, v9  }
0x42: {  	v9 =	vld [tilespmem:s1+$0x200];
	_ =	sdelay $0x4  }
0x43: {  	vm0 =	vge.s32 v9, v4;
	vm1 =	vle.s32 v9, v8  }
0x44: {  	vm0 =	vmand vm0, vm1  }
0x45: {  	v10 =	vmpcnt.ones.xlane vm0;
	_ =	sdelay $0x1  }
0x46: {  	(v2sf) =	vpush v10, $0x0;
	_ =	sdelay $0xe  }
0x47: {  	s23 =	spop (v2sf)  }
0x48: {  	p0 =	slt.s32 s23, $0x1  }
0x49: {  	[tilespmem:s21+$0x1180] =	vst.msk @!p0 vm0, v9  }
0x4a: {  	v9 =	vld [tilespmem:s1+$0x400];
	_ =	sdelay $0x4  }
0x4b: {  	vm0 =	vge.s32 v9, v4;
	vm1 =	vle.s32 v9, v8  }
0x4c: {  	vm0 =	vmand vm0, vm1  }
0x4d: {  	v10 =	vmpcnt.ones.xlane vm0;
	_ =	sdelay $0x1  }
0x4e: {  	(v2sf) =	vpush v10, $0x0;
	_ =	sdelay $0xe  }
0x4f: {  	s13 =	spop (v2sf)  }
0x50: {  	p0 =	slt.s32 s13, $0x1  }
0x51: {  	[tilespmem:s21+$0x1300] =	vst.msk @!p0 vm0, v9  }
0x52: {  	v9 =	vld [tilespmem:s1+$0x600];
	_ =	sdelay $0x4  }
0x53: {  	vm0 =	vge.s32 v9, v4;
	vm1 =	vle.s32 v9, v8  }
0x54: {  	vm0 =	vmand vm0, vm1  }
0x55: {  	v10 =	vmpcnt.ones.xlane vm0;
	_ =	sdelay $0x1  }
0x56: {  	(v2sf) =	vpush v10, $0x0;
	_ =	sdelay $0xe  }
0x57: {  	s14 =	spop (v2sf)  }
0x58: {  	p0 =	slt.s32 s14, $0x1  }
0x59: {  	[tilespmem:s21+$0x1480] =	vst.msk @!p0 vm0, v9  }
0x5a: {  	v9 =	vld [tilespmem:s10+$0x80];
	_ =	sdelay $0x4  }
0x5b: {  	vm0 =	vge.s32 v9, v3;
	vm1 =	vle.s32 v9, v7  }
0x5c: {  	vm0 =	vmand vm0, vm1  }
0x5d: {  	v10 =	vmpcnt.ones.xlane vm0;
	_ =	sdelay $0x1  }
0x5e: {  	(v2sf) =	vpush v10, $0x0;
	_ =	sdelay $0xe  }
0x5f: {  	s24 =	spop (v2sf)  }
0x60: {  	p0 =	slt.s32 s24, $0x1  }
0x61: {  	[tilespmem:s21+$0x1600] =	vst.msk @!p0 vm0, v9  }
0x62: {  	v9 =	vld [tilespmem:s1+$0x280];
	_ =	sdelay $0x4  }
0x63: {  	vm0 =	vge.s32 v9, v3;
	vm1 =	vle.s32 v9, v7  }
0x64: {  	vm0 =	vmand vm0, vm1  }
0x65: {  	v10 =	vmpcnt.ones.xlane vm0;
	_ =	sdelay $0x1  }
0x66: {  	(v2sf) =	vpush v10, $0x0;
	_ =	sdelay $0xe  }
0x67: {  	s16 =	spop (v2sf)  }
0x68: {  	p0 =	slt.s32 s16, $0x1  }
0x69: {  	[tilespmem:s21+$0x1780] =	vst.msk @!p0 vm0, v9  }
0x6a: {  	v9 =	vld [tilespmem:s1+$0x480];
	_ =	sdelay $0x4  }
0x6b: {  	vm0 =	vge.s32 v9, v3;
	vm1 =	vle.s32 v9, v7  }
0x6c: {  	vm0 =	vmand vm0, vm1  }
0x6d: {  	v10 =	vmpcnt.ones.xlane vm0;
	_ =	sdelay $0x1  }
0x6e: {  	(v2sf) =	vpush v10, $0x0;
	_ =	sdelay $0xe  }
0x6f: {  	s22 =	spop (v2sf)  }
0x70: {  	p0 =	slt.s32 s22, $0x1  }
0x71: {  	[tilespmem:s21+$0x1900] =	vst.msk @!p0 vm0, v9  }
0x72: {  	v9 =	vld [tilespmem:s1+$0x680];
	_ =	sdelay $0x4  }
0x73: {  	vm0 =	vge.s32 v9, v3;
	vm1 =	vle.s32 v9, v7  }
0x74: {  	vm0 =	vmand vm0, vm1  }
0x75: {  	v10 =	vmpcnt.ones.xlane vm0;
	_ =	sdelay $0x1  }
0x76: {  	(v2sf) =	vpush v10, $0x0;
	_ =	sdelay $0x8  }
0x77: {  	s25 =	simm.s32 $0x10  }
0x78: {  	s29 =	simm.s32 $0x20;
	s20 =	sadd.s32 $0x0, s0;
	s19 =	sadd.s32 $0x0, s23  }
0x79: {  	s31 =	simm.s32 $0x20;
	s30 =	smov.u32 s20;
	s28 =	smov.u32 s19  }
0x7a: {  	s18 =	sadd.s32 $0x0, s13;
	s17 =	sadd.s32 $0x0, s14;
	s10 =	sand.u32 $0x100, s31  }
0x7b: {  	s15 =	sadd.s32 $0x0, s24;
	s16 =	sadd.s32 $0x0, s16;
	s13 =	sadd.s32 $0x0, s22  }
0x7c: {  	s24 =	smov.u32 s15;
	s23 =	smov.u32 s16;
	s22 =	smov.u32 s13  }
0x7d: {  	s1 =	sand.u32 $0x70, s25;
	s25 =	smov.u32 s17;
	s26 =	spop (v2sf)  }
0x7e: {  	p1 =	slt.s32 s26, $0x1;
	s14 =	sadd.s32 $0x0, s26;
	s26 =	smov.u32 s18  }
.LBB2_6:
0x7f: {  	s9 =	sor.u32 s1, s10;
	[tilespmem:s21+$0x1A80] =	vst.msk @!p1 vm0, v9;
	s0 =	smov.u32 s29;
	s29 =	sadd.s32 $0x10, s29  }
0x80: {  	s21 =	smov.u32 s14;
	p0 =	sne.s32 s29, $0x100;
	v9 =	vld [tilespmem:s9+$0x0];
	_ =	sdelay $0x4  }
0x81: {  	vm0 =	vge.s32 v9, v4;
	vm1 =	vle.s32 v9, v8  }
0x82: {  	vm0 =	vmand vm0, vm1  }
0x83: {  	v10 =	vmpcnt.ones.xlane vm0;
	_ =	sdelay $0x1  }
0x84: {  	(v2sf) =	vpush v10, $0x0;
	_ =	sdelay $0xe  }
0x85: {  	s11 =	spop (v2sf)  }
0x86: {  	p1 =	slt.s32 s11, $0x1;
	s20 =	sadd.s32 s20, s11  }
0x87: {  	s1 =	sadd.s32 s1, s10;
	[tilespmem:s30+$0x1000] =	vst.msk @!p1 vm0, v9;
	s30 =	smov.u32 s20  }
0x88: {  	v9 =	vld [tilespmem:s1+$0x200];
	_ =	sdelay $0x4  }
0x89: {  	vm0 =	vge.s32 v9, v4;
	vm1 =	vle.s32 v9, v8  }
0x8a: {  	vm0 =	vmand vm0, vm1  }
0x8b: {  	v10 =	vmpcnt.ones.xlane vm0;
	_ =	sdelay $0x1  }
0x8c: {  	(v2sf) =	vpush v10, $0x0;
	_ =	sdelay $0xe  }
0x8d: {  	s10 =	spop (v2sf)  }
0x8e: {  	p1 =	slt.s32 s10, $0x1;
	s19 =	sadd.s32 s19, s10  }
0x8f: {  	[tilespmem:s28+$0x1180] =	vst.msk @!p1 vm0, v9;
	s28 =	smov.u32 s19  }
0x90: {  	v9 =	vld [tilespmem:s1+$0x400];
	_ =	sdelay $0x4  }
0x91: {  	vm0 =	vge.s32 v9, v4;
	vm1 =	vle.s32 v9, v8  }
0x92: {  	vm0 =	vmand vm0, vm1  }
0x93: {  	v10 =	vmpcnt.ones.xlane vm0;
	_ =	sdelay $0x1  }
0x94: {  	(v2sf) =	vpush v10, $0x0;
	_ =	sdelay $0xe  }
0x95: {  	s10 =	spop (v2sf)  }
0x96: {  	p1 =	slt.s32 s10, $0x1;
	s18 =	sadd.s32 s18, s10  }
0x97: {  	[tilespmem:s26+$0x1300] =	vst.msk @!p1 vm0, v9;
	s26 =	smov.u32 s18  }
0x98: {  	v9 =	vld [tilespmem:s1+$0x600];
	_ =	sdelay $0x4  }
0x99: {  	vm0 =	vge.s32 v9, v4;
	vm1 =	vle.s32 v9, v8  }
0x9a: {  	vm0 =	vmand vm0, vm1  }
0x9b: {  	v10 =	vmpcnt.ones.xlane vm0;
	_ =	sdelay $0x1  }
0x9c: {  	(v2sf) =	vpush v10, $0x0;
	_ =	sdelay $0xe  }
0x9d: {  	s10 =	spop (v2sf)  }
0x9e: {  	p1 =	slt.s32 s10, $0x1;
	s17 =	sadd.s32 s17, s10  }
0x9f: {  	[tilespmem:s25+$0x1480] =	vst.msk @!p1 vm0, v9;
	s25 =	smov.u32 s17  }
0xa0: {  	v9 =	vld [tilespmem:s9+$0x80];
	_ =	sdelay $0x4  }
0xa1: {  	vm0 =	vge.s32 v9, v3;
	vm1 =	vle.s32 v9, v7  }
0xa2: {  	vm0 =	vmand vm0, vm1  }
0xa3: {  	v10 =	vmpcnt.ones.xlane vm0;
	_ =	sdelay $0x1  }
0xa4: {  	(v2sf) =	vpush v10, $0x0;
	_ =	sdelay $0xe  }
0xa5: {  	s9 =	spop (v2sf)  }
0xa6: {  	p1 =	slt.s32 s9, $0x1;
	s15 =	sadd.s32 s15, s9  }
0xa7: {  	[tilespmem:s24+$0x1600] =	vst.msk @!p1 vm0, v9;
	s24 =	smov.u32 s15  }
0xa8: {  	v9 =	vld [tilespmem:s1+$0x280];
	_ =	sdelay $0x4  }
0xa9: {  	vm0 =	vge.s32 v9, v3;
	vm1 =	vle.s32 v9, v7  }
0xaa: {  	vm0 =	vmand vm0, vm1  }
0xab: {  	v10 =	vmpcnt.ones.xlane vm0;
	_ =	sdelay $0x1  }
0xac: {  	(v2sf) =	vpush v10, $0x0;
	_ =	sdelay $0xe  }
0xad: {  	s9 =	spop (v2sf)  }
0xae: {  	p1 =	slt.s32 s9, $0x1;
	s16 =	sadd.s32 s16, s9  }
0xaf: {  	[tilespmem:s23+$0x1780] =	vst.msk @!p1 vm0, v9;
	s23 =	smov.u32 s16  }
0xb0: {  	v9 =	vld [tilespmem:s1+$0x480];
	_ =	sdelay $0x4  }
0xb1: {  	vm0 =	vge.s32 v9, v3;
	vm1 =	vle.s32 v9, v7  }
0xb2: {  	vm0 =	vmand vm0, vm1  }
0xb3: {  	v10 =	vmpcnt.ones.xlane vm0;
	_ =	sdelay $0x1  }
0xb4: {  	(v2sf) =	vpush v10, $0x0;
	_ =	sdelay $0xe  }
0xb5: {  	s9 =	spop (v2sf)  }
0xb6: {  	p1 =	slt.s32 s9, $0x1;
	s13 =	sadd.s32 s13, s9  }
0xb7: {  	[tilespmem:s22+$0x1900] =	vst.msk @!p1 vm0, v9;
	s22 =	smov.u32 s13  }
0xb8: {  	v9 =	vld [tilespmem:s1+$0x680];
	_ =	sdelay $0x4  }
0xb9: {  	vm0 =	vge.s32 v9, v3;
	vm1 =	vle.s32 v9, v7  }
0xba: {  	vm0 =	vmand vm0, vm1  }
0xbb: {  	v10 =	vmpcnt.ones.xlane vm0;
	_ =	sdelay $0x1  }
0xbc: {  	(v2sf) =	vpush v10, $0x0;
	_ =	sdelay $0xb  }
.Ltmp2:
0xbd: {  	(pc) =	sbr.rel @p0 .LBB2_6-.Ltmp2, $3  }
0xbe: {  	_ =	sdelay $0x1  }
0xbf: {  	s31 =	sadd.s32 $0x20, s31;
	s1 =	sand.u32 $0x70, s0;
	s0 =	spop (v2sf)  }
0xc0: {  	s10 =	sand.u32 $0x100, s31;
	p1 =	slt.s32 s0, $0x1;
	s14 =	sadd.s32 s14, s0  }
0xc1: {  	s9 =	sor.u32 s1, s10;
	[tilespmem:s21+$0x1A80] =	vst.msk @!p1 vm0, v9  }
0xc2: {  	v9 =	vld [tilespmem:s9+$0x0];
	_ =	sdelay $0x4  }
0xc3: {  	vm13 =	vge.s32 v9, v4;
	vm1 =	vle.s32 v9, v8  }
0xc4: {  	vm0 =	vmand vm13, vm1  }
0xc5: {  	v10 =	vmpcnt.ones.xlane vm0;
	_ =	sdelay $0x1  }
0xc6: {  	(v2sf) =	vpush v10, $0x0;
	_ =	sdelay $0xe  }
0xc7: {  	s0 =	spop (v2sf)  }
0xc8: {  	p0 =	slt.s32 s0, $0x1  }
0xc9: {  	s10 =	sadd.s32 s1, s10;
	[tilespmem:s30+$0x1000] =	vst.msk @!p0 vm0, v9  }
0xca: {  	v9 =	vld [tilespmem:s10+$0x200];
	_ =	sdelay $0x4  }
0xcb: {  	vm14 =	vge.s32 v9, v4;
	vm15 =	vle.s32 v9, v8  }
0xcc: {  	vm0 =	vmand vm14, vm15  }
0xcd: {  	v10 =	vmpcnt.ones.xlane vm0;
	_ =	sdelay $0x1  }
0xce: {  	(v2sf) =	vpush v10, $0x0;
	_ =	sdelay $0xe  }
0xcf: {  	s21 =	spop (v2sf)  }
0xd0: {  	p0 =	slt.s32 s21, $0x1  }
0xd1: {  	[tilespmem:s28+$0x1180] =	vst.msk @!p0 vm0, v9  }
0xd2: {  	v9 =	vld [tilespmem:s10+$0x400];
	_ =	sdelay $0x4  }
0xd3: {  	vm4 =	vge.s32 v9, v4;
	vm5 =	vle.s32 v9, v8  }
0xd4: {  	vm0 =	vmand vm4, vm5  }
0xd5: {  	v10 =	vmpcnt.ones.xlane vm0;
	_ =	sdelay $0x1  }
0xd6: {  	(v2sf) =	vpush v10, $0x0;
	_ =	sdelay $0xe  }
0xd7: {  	s11 =	spop (v2sf)  }
0xd8: {  	p0 =	slt.s32 s11, $0x1  }
0xd9: {  	[tilespmem:s26+$0x1300] =	vst.msk @!p0 vm0, v9  }
0xda: {  	v9 =	vld [tilespmem:s10+$0x600];
	_ =	sdelay $0x4  }
0xdb: {  	vm6 =	vge.s32 v9, v4;
	vm7 =	vle.s32 v9, v8  }
0xdc: {  	vm0 =	vmand vm6, vm7  }
0xdd: {  	v10 =	vmpcnt.ones.xlane vm0;
	_ =	sdelay $0x1  }
0xde: {  	(v2sf) =	vpush v10, $0x0;
	_ =	sdelay $0xe  }
0xdf: {  	s31 =	spop (v2sf)  }
0xe0: {  	p0 =	slt.s32 s31, $0x1  }
0xe1: {  	[tilespmem:s25+$0x1480] =	vst.msk @!p0 vm0, v9  }
0xe2: {  	v9 =	vld [tilespmem:s9+$0x80];
	_ =	sdelay $0x4  }
0xe3: {  	vm8 =	vge.s32 v9, v3;
	vm9 =	vle.s32 v9, v7  }
0xe4: {  	vm0 =	vmand vm8, vm9  }
0xe5: {  	v10 =	vmpcnt.ones.xlane vm0;
	_ =	sdelay $0x1  }
0xe6: {  	(v2sf) =	vpush v10, $0x0;
	_ =	sdelay $0xe  }
0xe7: {  	s26 =	spop (v2sf)  }
0xe8: {  	p0 =	slt.s32 s26, $0x1  }
0xe9: {  	[tilespmem:s24+$0x1600] =	vst.msk @!p0 vm0, v9  }
0xea: {  	v9 =	vld [tilespmem:s10+$0x280];
	_ =	sdelay $0x4  }
0xeb: {  	vm10 =	vge.s32 v9, v3;
	vm11 =	vle.s32 v9, v7  }
0xec: {  	vm0 =	vmand vm10, vm11  }
0xed: {  	v10 =	vmpcnt.ones.xlane vm0;
	_ =	sdelay $0x1  }
0xee: {  	(v2sf) =	vpush v10, $0x0;
	_ =	sdelay $0xe  }
0xef: {  	s28 =	spop (v2sf)  }
0xf0: {  	p0 =	slt.s32 s28, $0x1  }
0xf1: {  	[tilespmem:s23+$0x1780] =	vst.msk @!p0 vm0, v9  }
0xf2: {  	v9 =	vld [tilespmem:s10+$0x480];
	_ =	sdelay $0x4  }
0xf3: {  	vm12 =	vge.s32 v9, v3;
	vm13 =	vle.s32 v9, v7  }
0xf4: {  	vm0 =	vmand vm12, vm13  }
0xf5: {  	v10 =	vmpcnt.ones.xlane vm0;
	_ =	sdelay $0x1  }
0xf6: {  	(v2sf) =	vpush v10, $0x0;
	_ =	sdelay $0xe  }
0xf7: {  	s29 =	spop (v2sf)  }
0xf8: {  	p0 =	slt.s32 s29, $0x1  }
0xf9: {  	[tilespmem:s22+$0x1900] =	vst.msk @!p0 vm0, v9  }
0xfa: {  	v9 =	vld [tilespmem:s10+$0x680];
	_ =	sdelay $0x4  }
0xfb: {  	vm14 =	vge.s32 v9, v3;
	vm15 =	vle.s32 v9, v7  }
0xfc: {  	vm0 =	vmand vm14, vm15  }
0xfd: {  	v10 =	vmpcnt.ones.xlane vm0;
	_ =	sdelay $0x1  }
0xfe: {  	(v2sf) =	vpush v10, $0x0;
	_ =	sdelay $0xe  }
0xff: {  	s20 =	sadd.s32 s20, s0;
	s1 =	sadd.s32 s19, s21;
	s30 =	spop (v2sf)  }
0x100: {  	s9 =	sadd.s32 s18, s11;
	s15 =	sadd.s32 s15, s26;
	p0 =	slt.s32 s30, $0x1  }
0x101: {  	s0 =	sadd.s32 s16, s28;
	s10 =	sadd.s32 s17, s31;
	s31 =	sadd.s32 s20, s1;
	[tilespmem:s14+$0x1A80] =	vst.msk @!p0 vm0, v9  }
0x102: {  	s16 =	sadd.s32 s15, s0;
	s13 =	sadd.s32 s13, s29;
	s11 =	sadd.s32 s9, s31;
	[tilespmem:s20+$0x1000] =	vst v0  }
0x103: {  	s16 =	sadd.s32 s13, s16;
	s11 =	sadd.s32 s10, s11;
	s14 =	sadd.s32 s14, s30;
	[tilespmem:s1+$0x1180] =	vst v0  }
0x104: {  	p0 =	sgt.s32 s11, $0x10;
	s16 =	sadd.s32 s14, s16;
	[tilespmem:s9+$0x1300] =	vst v0  }
0x105: {  	p1 =	sgt.s32 @!p0 s16, $0x10;
	[tilespmem:s10+$0x1480] =	vst v0  }
0x106: {  	p0 =	por p0, p1;
	[tilespmem:s15+$0x1600] =	vst v0  }
.Ltmp3:
0x107: {  	[tilespmem:s0+$0x1780] =	vst v0;
	(pc) =	sbr.rel @p0 .LBB2_9-.Ltmp3, $4  }
0x108: {  	[tilespmem:s13+$0x1900] =	vst v0  }
0x109: {  	[tilespmem:s14+$0x1A80] =	vst v0  }
0x10a: {  	_ =	strace $0x90000049  }
0x10b: {  	_ =	strace $0x8000004A  }
0x10c: {  	v3 =	vld [tilespmem:$0x1000]  }
0x10d: {  	v4 =	vld [tilespmem:$0x1180]  }
0x10e: {  	v7 =	vld [tilespmem:$0x1300]  }
0x10f: {  	v8 =	vld [tilespmem:$0x1480];
	_ =	sdelay $0x1  }
0x110: {  	vm0 =	vlt.s32 v3, $0x40000000  }
0x111: {  	vm1 =	vlt.s32 v4, $0x40000000;
	v9 =	vmpcnt.ones.xlane vm0  }
0x112: {  	vm2 =	vlt.s32 v7, $0x40000000;
	v10 =	vmpcnt.ones.xlane vm1  }
0x113: {  	vm3 =	vlt.s32 v8, $0x40000000;
	(v2sf) =	vpush v9, $0x0;
	v9 =	vmpcnt.ones.xlane vm2  }
0x114: {  	(v2sf) =	vpush v10, $0x0;
	v10 =	vmpcnt.ones.xlane vm3  }
0x115: {  	(v2sf) =	vpush v9, $0x0  }
0x116: {  	(v2sf) =	vpush v10, $0x0;
	_ =	sdelay $0xb  }
0x117: {  	s1 =	simm.s32 $0x1C00;
	s0 =	spop (v2sf)  }
0x118: {  	[tilespmem:s1+$0x0] =	vst.msk vm0, v3;
	s19 =	sadd.s32 $0x1C00, s0;
	s9 =	spop (v2sf)  }
0x119: {  	[tilespmem:s0+$0x1C00] =	vst.msk vm1, v4;
	s20 =	sadd.s32 s9, s19;
	s21 =	spop (v2sf)  }
0x11a: {  	[tilespmem:s20+$0x0] =	vst.msk vm2, v7;
	s0 =	sadd.s32 s21, s20;
	s22 =	spop (v2sf)  }
0x11b: {  	[tilespmem:s0+$0x0] =	vst.msk vm3, v8;
	s0 =	sadd.s32 s22, s0  }
0x11c: {  	[tilespmem:s0+$0x0] =	vst v0  }
0x11d: {  	v3 =	vld [tilespmem:$0x1C00];
	_ =	sdelay $0x4  }
0x11e: {  	v4 =	vxor.u32 $0x80000000, v3  }
0x11f: {  	(xrf1) =	vsort.ascd.msk.u32 $0xffff, v4, v3;
	_ =	sdelay $0xc  }
0x120: {  	v4 =	vsub.s32 $0x100, v6  }
0x121: {  	vm8 =	vgt.s32 v4, v1;
	v7, _, _ =	vpop (xrf1)  }
0x122: {  	v4 =	vnsel vm8, $0x80000000, v7  }
0x123: {  	(xrf0) =	vmax.scan.msk.u32 $0xffff, v4;
	v4 =	vld [tilespmem:$0x1600]  }
0x124: {  	v7 =	vld [tilespmem:$0x1780]  }
0x125: {  	v8 =	vld [tilespmem:$0x1900]  }
0x126: {  	v9 =	vld [tilespmem:$0x1A80];
	_ =	sdelay $0x1  }
0x127: {  	vm9 =	vlt.s32 v4, $0x40000000  }
0x128: {  	vm10 =	vlt.s32 v7, $0x40000000;
	v10, _, _ =	vpop (xrf0);
	v11 =	vmpcnt.ones.xlane vm9  }
0x129: {  	vm11 =	vlt.s32 v8, $0x40000000;
	(v2sf) =	vpush v10, $0xF;
	v10 =	vmpcnt.ones.xlane vm10  }
0x12a: {  	vm12 =	vlt.s32 v9, $0x40000000;
	(v2sf) =	vpush v11, $0x0;
	v11 =	vmpcnt.ones.xlane vm11  }
0x12b: {  	(v2sf) =	vpush v10, $0x0;
	v10 =	vmpcnt.ones.xlane vm12  }
0x12c: {  	(v2sf) =	vpush v11, $0x0  }
0x12d: {  	(v2sf) =	vpush v10, $0x0;
	_ =	sdelay $0xa  }
0x12e: {  	s23 =	spop (v2sf)  }
0x12f: {  	s25 =	simm.s32 $0x1C80;
	s24 =	spop (v2sf)  }
0x130: {  	[tilespmem:s25+$0x0] =	vst.msk vm9, v4;
	s26 =	spop (v2sf);
	s10 =	sadd.s32 $0x1C80, s24  }
0x131: {  	[tilespmem:s24+$0x1C80] =	vst.msk vm10, v7;
	s28 =	sadd.s32 s26, s10;
	s29 =	spop (v2sf)  }
0x132: {  	[tilespmem:s28+$0x0] =	vst.msk vm11, v8;
	s1 =	sadd.s32 s29, s28;
	s30 =	spop (v2sf)  }
0x133: {  	[tilespmem:s1+$0x0] =	vst.msk vm12, v9;
	s1 =	sadd.s32 s30, s1  }
0x134: {  	[tilespmem:s1+$0x0] =	vst v0  }
0x135: {  	v4 =	vld [tilespmem:$0x1C80];
	_ =	sdelay $0x4  }
0x136: {  	v7 =	vxor.u32 $0x80000000, v4  }
0x137: {  	(xrf1) =	vsort.ascd.msk.u32 $0xffff, v7, v4;
	_ =	sdelay $0xc  }
0x138: {  	v7 =	vsub.s32 $0x100, v5  }
0x139: {  	vm13 =	vgt.s32 v7, v1;
	v8, _, _ =	vpop (xrf1)  }
0x13a: {  	v7 =	vnsel vm13, $0x80000000, v8  }
0x13b: {  	(xrf0) =	vmax.scan.msk.u32 $0xffff, v7;
	_ =	sdelay $0x5  }
0x13c: {  	v7, _, _ =	vpop (xrf0)  }
0x13d: {  	(v2sf) =	vpush v7, $0xF;
	_ =	sdelay $0xe  }
0x13e: {  	s0 =	sxor.u32 $0x80000000, s23;
	s31 =	spop (v2sf)  }
0x13f: {  	vm14 =	vlt.s32 v3, s0;
	s1 =	sxor.u32 $0x80000000, s31  }
0x140: {  	v3 =	vmpcnt.ones.xlane vm14;
	vm15 =	vlt.s32 v4, s1  }
0x141: {  	v7 =	vmpcnt.ones.xlane vm15  }
0x142: {  	v10 =	vadd.s32 v6, v3  }
0x143: {  	v4 =	vmov s0;
	v3 =	vmov s1;
	v9 =	vadd.s32 v5, v7  }
.LBB2_20:
0x144: {  	s0 =	simm.s32 $0x0  }
0x145: {  	_ =	strace $0x9000004A;
	s1 =	sand.u32 $0x60, s0;
	s0 =	sand.u32 $0x700, s0  }
0x146: {  	_ =	strace $0x8000004B;
	s0 =	sor.u32 s1, s0  }
0x147: {  	v7 =	vld [tilespmem:s0+$0x10]  }
0x148: {  	v8 =	vld [tilespmem:s0+$0x80]  }
0x149: {  	v11 =	vld [tilespmem:s0+$0x90];
	_ =	sdelay $0x1  }
0x14a: {  	v12 =	vld [tilespmem:s0+$0x0]  }
0x14b: {  	vm4 =	veq.s32 v7, v4  }
0x14c: {  	vm2 =	veq.s32 v8, v3;
	v6 =	vsel vm4, $0x1, v2  }
0x14d: {  	v5 =	vsub.s32 $0x100, v10;
	vm0 =	veq.s32 v11, v3;
	v10 =	vsel vm2, $0x1, v2;
	(xrf0) =	vadd.scan.msk.s32 $0xffff, v6  }
0x14e: {  	v13 =	vsel vm0, $0x1, v2;
	(xrf0) =	vadd.scan.msk.s32 $0xffff, v10  }
0x14f: {  	vm3 =	veq.s32 v12, v4;
	vm1 =	vlt.s32 v7, v4;
	(xrf0) =	vadd.scan.msk.s32 $0xffff, v13  }
0x150: {  	vm6 =	vlt.s32 v12, v4;
	vm7 =	vlt.s32 v8, v3;
	v14 =	vmpcnt.ones.xlane vm2  }
0x151: {  	v6 =	vsub.s32 $0x100, v9;
	v9 =	vimm.s32 $0x0;
	v13 =	vsel vm2, $0xFFFFFFFF, v2  }
0x152: {  	v16 =	vsel vm3, $0x1, v2;
	v7 =	vadd.s32 v13, v9;
	v13 =	vadd.s32 v9, v14  }
0x153: {  	s31 =	simm.s32 $0x20;
	s9 =	simm.s32 $0x40;
	vm8 =	vlt.s32 v11, v3;
	v15 =	vsel vm0, $0xFFFFFFFF, v2;
	v17 =	vmpcnt.ones.xlane vm0;
	(xrf0) =	vadd.scan.msk.s32 $0xffff, v16;
	v12, _, _ =	vpop (xrf0)  }
0x154: {  	s9 =	sand.u32 $0x700, s9;
	s1 =	sand.u32 $0x60, s31;
	v18 =	vmpcnt.ones.xlane vm3;
	v19 =	vsel vm3, $0xFFFFFFFF, v2;
	v20 =	vmpcnt.ones.xlane vm4;
	v14, _, _ =	vpop (xrf0)  }
0x155: {  	s1 =	sor.u32 s1, s9;
	v15 =	vadd.s32 v15, v13;
	v14 =	vadd.s32 v14, v7;
	v7 =	vadd.s32 v13, v17;
	v13, _, _ =	vpop (xrf0)  }
0x156: {  	v8 =	vld [tilespmem:s1+$0x90];
	vm5 =	vmmov vm4;
	v10 =	vsel vm4, $0xFFFFFFFF, v2;
	v13 =	vadd.s32 v13, v15  }
0x157: {  	v11 =	vadd.s32 v19, v9;
	v18 =	vadd.s32 v9, v18;
	vm4 =	vlt.s32 v14, v6  }
0x158: {  	v21 =	vld [tilespmem:s1+$0x10];
	v10 =	vadd.s32 v10, v18;
	vm2 =	vmand vm2, vm4;
	vm4 =	vlt.s32 v13, v6  }
0x159: {  	v18 =	vadd.s32 v18, v20;
	v9 =	vld [tilespmem:s1+$0x80];
	v12 =	vadd.s32 v12, v10;
	vm0 =	vmand vm0, vm4;
	v13, _, _ =	vpop (xrf0)  }
0x15a: {  	vm2 =	vmor vm7, vm2;
	vm0 =	vmor vm8, vm0;
	v11 =	vadd.s32 v13, v11  }
0x15b: {  	v10 =	vsel vm0, $0x3F800000, v2;
	vm0 =	veq.s32 v8, v3;
	vm4 =	vlt.s32 v11, v5;
	v11 =	vld [tilespmem:s1+$0x0]  }
0x15c: {  	v13 =	vsel vm2, $0x3F800000, v2;
	v16 =	vsel vm0, $0x1, v2;
	vm2 =	vmand vm3, vm4  }
0x15d: {  	[tilespmem:s0+$0x880] =	vst v13;
	v17 =	vmpcnt.ones.xlane vm0;
	vm4 =	veq.s32 v21, v4;
	vm6 =	vmor vm6, vm2  }
0x15e: {  	[tilespmem:s0+$0x890] =	vst v10;
	v13 =	vsel vm4, $0x1, v2;
	vm2 =	veq.s32 v9, v3;
	v10 =	vsel vm4, $0xFFFFFFFF, v2  }
0x15f: {  	v19 =	vsel vm2, $0x1, v2;
	v14 =	vmpcnt.ones.xlane vm2;
	(xrf0) =	vadd.scan.msk.s32 $0xffff, v13;
	v15 =	vsel vm2, $0xFFFFFFFF, v2  }
0x160: {  	(xrf0) =	vadd.scan.msk.s32 $0xffff, v19;
	v19 =	vsel vm6, $0x3F800000, v2;
	vm6 =	vlt.s32 v12, v5;
	vm3 =	veq.s32 v11, v4  }
0x161: {  	v13 =	vsel vm0, $0xFFFFFFFF, v2;
	(xrf0) =	vadd.scan.msk.s32 $0xffff, v16;
	vm5 =	vmand vm5, vm6;
	v12 =	vsel vm3, $0x1, v2  }
0x162: {  	[tilespmem:s0+$0x800] =	vst v19;
	v16 =	vmpcnt.ones.xlane vm3;
	v19 =	vsel vm3, $0xFFFFFFFF, v2;
	vm5 =	vmor vm1, vm5  }
0x163: {  	s10 =	simm.s32 $0x40;
	s9 =	simm.s32 $0x80;
	vm1 =	vlt.s32 v21, v4;
	(xrf0) =	vadd.scan.msk.s32 $0xffff, v12;
	v12 =	vmpcnt.ones.xlane vm4;
	v20 =	vsel vm5, $0x3F800000, v2  }
.LBB2_21:
0x164: {  	s11 =	sand.u32 $0x60, s10;
	vm6 =	vlt.s32 v11, v4;
	[tilespmem:s0+$0x810] =	vst v20;
	s0 =	smov.u32 s10  }
0x165: {  	s14 =	sand.u32 $0x700, s9;
	vm8 =	vlt.s32 v9, v3;
	vm7 =	vlt.s32 v8, v3;
	v21, _, _ =	vpop (xrf0);
	vm5 =	vmmov vm4;
	s13 =	sadd.s32 $0x20, s10;
	s0 =	smov.u32 s1  }
0x166: {  	p0 =	sne.s32 s10, $0x3E0;
	v19 =	vadd.s32 v19, v18;
	v9 =	vadd.s32 v15, v7;
	v7 =	vadd.s32 v7, v14;
	s1 =	sor.u32 s11, s14;
	v11, _, _ =	vpop (xrf0)  }
0x167: {  	v8 =	vld [tilespmem:s1+$0x90];
	v9 =	vadd.s32 v11, v9;
	v11 =	vadd.s32 v13, v7;
	v7 =	vadd.s32 v7, v17;
	v13, _, _ =	vpop (xrf0)  }
0x168: {  	v18 =	vadd.s32 v18, v16;
	v20 =	vld [tilespmem:s1+$0x10];
	vm4 =	vlt.s32 v9, v6;
	v11 =	vadd.s32 v13, v11  }
0x169: {  	v10 =	vadd.s32 v10, v18;
	v9 =	vld [tilespmem:s1+$0x80];
	vm2 =	vmand vm2, vm4;
	vm4 =	vlt.s32 v11, v6;
	v13, _, _ =	vpop (xrf0)  }
0x16a: {  	v11 =	vld [tilespmem:s1+$0x0];
	v13 =	vadd.s32 v13, v19;
	vm2 =	vmor vm8, vm2;
	vm0 =	vmand vm0, vm4  }
0x16b: {  	vm4 =	vlt.s32 v13, v5;
	v13 =	vsel vm2, $0x3F800000, v2;
	vm0 =	vmor vm7, vm0  }
0x16c: {  	v16 =	vadd.s32 v21, v10;
	vm2 =	vmand vm3, vm4;
	[tilespmem:s0+$0x880] =	vst v13;
	v10 =	vsel vm0, $0x3F800000, v2  }
0x16d: {  	vm0 =	veq.s32 v8, v3;
	vm4 =	veq.s32 v20, v4;
	vm6 =	vmor vm6, vm2;
	[tilespmem:s0+$0x890] =	vst v10  }
0x16e: {  	v19 =	vsel vm0, $0x1, v2;
	v13 =	vsel vm4, $0x1, v2;
	vm2 =	veq.s32 v9, v3  }
0x16f: {  	v10 =	vsel vm4, $0xFFFFFFFF, v2;
	v21 =	vsel vm2, $0x1, v2;
	v14 =	vmpcnt.ones.xlane vm2;
	(xrf0) =	vadd.scan.msk.s32 $0xffff, v13  }
.Ltmp4:
0x170: {  	v17 =	vmpcnt.ones.xlane vm0;
	v15 =	vsel vm2, $0xFFFFFFFF, v2;
	v13 =	vsel vm0, $0xFFFFFFFF, v2;
	(xrf0) =	vadd.scan.msk.s32 $0xffff, v21;
	(pc) =	sbr.rel @p0 .LBB2_21-.Ltmp4, $4  }
0x171: {  	vm3 =	veq.s32 v11, v4;
	(xrf0) =	vadd.scan.msk.s32 $0xffff, v19;
	v19 =	vsel vm6, $0x3F800000, v2;
	vm6 =	vlt.s32 v16, v5  }
0x172: {  	v21 =	vsel vm3, $0x1, v2;
	v16 =	vmpcnt.ones.xlane vm3;
	[tilespmem:s0+$0x800] =	vst v19;
	vm5 =	vmand vm5, vm6  }
0x173: {  	v18 =	vadd.s32 v18, v12;
	v19 =	vsel vm3, $0xFFFFFFFF, v2;
	(xrf0) =	vadd.scan.msk.s32 $0xffff, v21;
	vm5 =	vmor vm1, vm5  }
0x174: {  	s9 =	sadd.s32 $0x40, s9;
	s10 =	smov.u32 s13;
	v12 =	vmpcnt.ones.xlane vm4;
	vm1 =	vlt.s32 v20, v4;
	v20 =	vsel vm5, $0x3F800000, v2  }
0x175: {  	vm5 =	vlt.s32 v11, v4;
	vm6 =	vlt.s32 v9, v3;
	vm7 =	vlt.s32 v8, v3  }
0x176: {  	v3, _, _ =	vpop (xrf0);
	vm4 =	vmmov vm4;
	v54 =	vadd.s32 v15, v7;
	v59 =	vadd.s32 v18, v16  }
0x177: {  	v55 =	vadd.s32 v7, v14;
	v57 =	vadd.s32 v19, v18;
	v56, _, _ =	vpop (xrf0);
	v61 =	vadd.s32 v10, v59  }
0x178: {  	v7 =	vadd.s32 v13, v55;
	v4 =	vadd.s32 v56, v54;
	v58, _, _ =	vpop (xrf0);
	v3 =	vadd.s32 v3, v61  }
0x179: {  	vm8 =	vlt.s32 v4, v6;
	v60 =	vadd.s32 v58, v7;
	vm12 =	vlt.s32 v3, v5;
	v62, _, _ =	vpop (xrf0)  }
0x17a: {  	vm2 =	vmand vm2, vm8;
	vm15 =	vlt.s32 v60, v6;
	v4 =	vadd.s32 v62, v57  }
0x17b: {  	vm2 =	vmor vm6, vm2;
	vm0 =	vmand vm0, vm15;
	vm10 =	vlt.s32 v4, v5  }
0x17c: {  	[tilespmem:s0+$0x810] =	vst v20;
	v63 =	vsel vm2, $0x3F800000, v2;
	vm0 =	vmor vm7, vm0;
	vm11 =	vmand vm3, vm10  }
0x17d: {  	vm14 =	vmand vm4, vm12;
	[tilespmem:s1+$0x880] =	vst v63;
	v3 =	vsel vm0, $0x3F800000, v2;
	vm13 =	vmor vm5, vm11  }
0x17e: {  	vm15 =	vmor vm1, vm14;
	[tilespmem:s1+$0x890] =	vst v3;
	v3 =	vsel vm13, $0x3F800000, v2  }
0x17f: {  	[tilespmem:s1+$0x800] =	vst v3;
	v3 =	vsel vm15, $0x3F800000, v2  }
0x180: {  	s12 =	sadd.s32 $0x1, s12;
	[tilespmem:s1+$0x810] =	vst v3  }
0x181: {  	s31 =	simm.s32 $0x800;
	p0 =	sne.s32 s12, s5;
	_ =	strace $0x9000004B  }
0x182: {  	[hbm4b:s4+s6] =	stream.strided.scatter [tilespmem:s31], [sflag:$0x1], $0x800, s7, s6, $0x38;
	[tilespmem:$0x1D00] =	vst v63  }
.Ltmp5:
0x183: {  	_ = 	snop;
	(pc) =	sbr.rel @p0 .LBB2_1-.Ltmp5, $4  }
.Ltmp6:
0x184: {  	_ = 	snop;
	(pc) =	sbr.rel @!p0 .LBB2_23-.Ltmp6, $4  }
0x185: {  	_ =	swait.ge [sflag:s8], $0x800  }
0x186: {  	[sflag:s8] =	ssyncset.done $0x0  }
0x187: {  	[sflag:s8] =	ssyncadd.s32 $0xFFFFF800  }
0x188: {  	_ = 	snop  }
.LBB2_9:
0x189: {  	p0 =	sgt.s32 s20, s1  }
0x18a: {  	s1 =	smov.u32 @p0 s20  }
0x18b: {  	p0 =	sgt.s32 s1, s9  }
0x18c: {  	s9 =	smov.u32 @p0 s1  }
0x18d: {  	p0 =	sgt.s32 s9, s10  }
0x18e: {  	s10 =	smov.u32 @p0 s9  }
0x18f: {  	p0 =	sgt.s32 s10, s15  }
0x190: {  	s15 =	smov.u32 @p0 s10  }
0x191: {  	p0 =	sgt.s32 s15, s0  }
0x192: {  	s0 =	smov.u32 @p0 s15  }
0x193: {  	p0 =	sgt.s32 s0, s13  }
0x194: {  	s13 =	smov.u32 @p0 s0  }
0x195: {  	p0 =	sgt.s32 s13, s14  }
0x196: {  	s14 =	smov.u32 @p0 s13  }
0x197: {  	s28 =	sadd.s32 $0xF, s14  }
0x198: {  	s29 =	sand.u32 $0xF, s28  }
0x199: {  	s30 =	sshra.s32 s28, $0x1F;
	p6 =	slt.s32 s28, $0x1;
	p1 =	sne.s32 s29, $0x0  }
.Ltmp7:
0x19a: {  	s31 =	sshrl.u32 s30, $0x1C;
	p0 =	por !p6, !p1;
	(pc) =	sbr.rel .LBB2_10-.Ltmp7, $4  }
0x19b: {  	s1 =	simm.s32 $0x1;
	s0 =	sadd.s32 s31, s28;
	p0 =	por !p0, !p0  }
0x19c: {  	s0 =	sshra.s32 s0, $0x4;
	s1 =	simm.s32 @!p0 $0x0  }
0x19d: {  	s0 =	ssub.s32 s0, s1  }
0x19e: {  	v9 =	vmov v5;
	v10 =	vmov v6;
	s1 =	simm.s32 $0x0;
	p0 =	slt.s32 s0, $0x1  }
.LBB2_11:
0x19f: {  	v14 =	vimm.s32 $0x0  }
.LBB2_19:
0x1a0: {  	s1 =	sadd.s32 $0x1, s1  }
0x1a1: {  	p1 =	sne.s32 s1, $0x11  }
.Ltmp8:
0x1a2: {  	_ = 	snop;
	(pc) =	sbr.rel @!p1 .LBB2_20-.Ltmp8, $4  }
0x1a3: {  	v13 =	vadd.s32 v6, v13;
	v15 =	vadd.s32 $0x1, v12;
	v62 =	vadd.s32 v5, v14  }
0x1a4: {  	v63 =	vadd.s32 $0x1, v11;
	vm0 =	vgt.s32 v13, $0xFF;
	vm15 =	vgt.s32 v62, $0xFF  }
0x1a5: {  	v4 =	vsel vm0, v4, v15;
	v8 =	vsel vm0, v12, v8;
	v10 =	vsel vm0, v10, v13  }
0x1a6: {  	v3 =	vsel vm15, v3, v63;
	v7 =	vsel vm15, v11, v7;
	v9 =	vsel vm15, v9, v62  }
.LBB2_10:
.Ltmp9:
0x1a7: {  	(pc) =	sbr.rel @p0 .LBB2_11-.Ltmp9, $4  }
0x1a8: {  	_ = 	snop  }
0x1a9: {  	v11 =	vsub.s32 v8, v4;
	v12 =	vsub.s32 v7, v3  }
0x1aa: {  	v11 =	vshra.s32 v11, $0x1;
	v13 =	vshra.s32 v12, $0x1  }
0x1ab: {  	v12 =	vadd.s32 v4, v11;
	v11 =	vadd.s32 v3, v13;
	v13 =	vimm.s32 $0x0  }
0x1ac: {  	s9 =	simm.s32 $0x1A80  }
0x1ad: {  	s10 =	simm.s32 $0x1900;
	p2 =	sne.s32 s0, $0x1;
	v16 =	vld [tilespmem:s9+$0x0]  }
.Ltmp10:
0x1ae: {  	s28 =	simm.s32 $0x1780;
	v15 =	vld [tilespmem:s10+$0x0];
	(pc) =	sbr.rel @!p2 .LBB2_13-.Ltmp10, $4  }
0x1af: {  	s29 =	simm.s32 $0x1600;
	v14 =	vld [tilespmem:s28+$0x0]  }
0x1b0: {  	s30 =	simm.s32 $0x1480;
	v17 =	vld [tilespmem:s29+$0x0]  }
0x1b1: {  	s31 =	simm.s32 $0x1000;
	s14 =	simm.s32 $0x1180;
	v21 =	vld [tilespmem:s30+$0x0]  }
0x1b2: {  	s18 =	sadd.s32 $0xFFFFFFFF, s0;
	p1 =	por $0x0, $0x0;
	s9 =	simm.s32 $0x1300;
	v18 =	vld [tilespmem:s31+$0x0]  }
0x1b3: {  	v23 =	vld [tilespmem:s14+$0x0]  }
0x1b4: {  	v25 =	vld [tilespmem:s9+$0x0];
	s13 =	simm.s32 $0x1A90  }
0x1b5: {  	vm0 =	vle.s32 v16, v11;
	vm1 =	vle.s32 v15, v11;
	s15 =	simm.s32 $0x1910;
	p2 =	sne.s32 s18, $0x1;
	v16 =	vld [tilespmem:s13+$0x0]  }
.Ltmp11:
0x1b6: {  	s16 =	simm.s32 $0x1790;
	v15 =	vld [tilespmem:s15+$0x0];
	vm3 =	vle.s32 v14, v11;
	v19 =	vmpcnt.ones.xlane vm0;
	vm2 =	vle.s32 v17, v11;
	(pc) =	sbr.rel @!p2 .LBB2_15-.Ltmp11, $4  }
0x1b7: {  	s17 =	simm.s32 $0x1610;
	v14 =	vld [tilespmem:s16+$0x0];
	v20 =	vmpcnt.ones.xlane vm1;
	v27 =	vmpcnt.ones.xlane vm2;
	vm0 =	vle.s32 v18, v12  }
0x1b8: {  	s19 =	simm.s32 $0x1010;
	v22 =	vmpcnt.ones.xlane vm3;
	v17 =	vld [tilespmem:s17+$0x0];
	v26 =	vmpcnt.ones.xlane vm0;
	vm0 =	vle.s32 v23, v12  }
0x1b9: {  	s10 =	simm.s32 $0x1490;
	s20 =	sadd.s32 $0xFFFFFFFF, s18;
	v18 =	vld [tilespmem:s19+$0x0];
	vm1 =	vle.s32 v25, v12;
	v27 =	vadd.s32 v13, v27;
	v24 =	vmpcnt.ones.xlane vm0  }
0x1ba: {  	s14 =	simm.s32 $0x1190;
	p1 =	por $0x1, $0x1;
	s18 =	simm.s32 $0x1300;
	v23 =	vld [tilespmem:s10+$0x0];
	vm0 =	vle.s32 v21, v12;
	v25 =	vmpcnt.ones.xlane vm1;
	v26 =	vadd.s32 v13, v26  }
.LBB2_16:
0x1bb: {  	p2 =	sne.s32 s20, $0x1;
	v21 =	vld [tilespmem:s14+$0x0];
	v24 =	vadd.s32 v24, v26;
	v26 =	vmpcnt.ones.xlane vm0;
	v22 =	vadd.s32 v22, v27;
	s18 =	sadd.s32 $0x10, s18  }
0x1bc: {  	vm0 =	vle.s32 v16, v11;
	s13 =	sadd.s32 $0x10, s13;
	v27 =	vld [tilespmem:s18+$0x0];
	v24 =	vadd.s32 v25, v24;
	v20 =	vadd.s32 v20, v22  }
0x1bd: {  	vm1 =	vle.s32 v15, v11;
	s15 =	sadd.s32 $0x10, s15;
	v16 =	vld [tilespmem:s13+$0x0];
	v25 =	vadd.s32 v26, v24;
	v28 =	vadd.s32 v19, v20  }
.Ltmp12:
0x1be: {  	s16 =	sadd.s32 $0x10, s16;
	vm3 =	vle.s32 v14, v11;
	vm2 =	vle.s32 v17, v11;
	v19 =	vmpcnt.ones.xlane vm0;
	v15 =	vld [tilespmem:s15+$0x0];
	(pc) =	sbr.rel @p2 .LBB2_16-.Ltmp12, $4  }
0x1bf: {  	s17 =	sadd.s32 $0x10, s17;
	v22 =	vmpcnt.ones.xlane vm3;
	v20 =	vmpcnt.ones.xlane vm1;
	v14 =	vld [tilespmem:s16+$0x0];
	vm0 =	vle.s32 v18, v12  }
0x1c0: {  	s10 =	sadd.s32 $0x10, s10;
	v17 =	vld [tilespmem:s17+$0x0];
	v26 =	vmpcnt.ones.xlane vm0;
	vm0 =	vle.s32 v21, v12;
	v21 =	vmpcnt.ones.xlane vm2  }
0x1c1: {  	s19 =	sadd.s32 $0x10, s19;
	v24 =	vmpcnt.ones.xlane vm0;
	vm1 =	vle.s32 v27, v12;
	vm0 =	vle.s32 v23, v12;
	v23 =	vld [tilespmem:s10+$0x0]  }
0x1c2: {  	s20 =	sadd.s32 $0xFFFFFFFF, s20;
	s14 =	sadd.s32 $0x10, s14;
	v18 =	vld [tilespmem:s19+$0x0];
	v26 =	vadd.s32 v25, v26;
	v25 =	vmpcnt.ones.xlane vm1;
	v27 =	vadd.s32 v28, v21  }
0x1c3: {  	_ =	sdelay $0x2  }
0x1c4: {  	v21 =	vmov v23  }
.LBB2_18:
0x1c5: {  	s10 =	sadd.s32 @p1 $0x10, s18;
	v24 =	vadd.s32 @p1 v24, v26;
	v26 =	vmpcnt.ones.xlane @p1 vm0  }
0x1c6: {  	v23 =	vld [tilespmem:s14+$0x0];
	v22 =	vadd.s32 @p1 v22, v27;
	vm11 =	vle.s32 v16, v11;
	vm1 =	vle.s32 v15, v11;
	s9 =	smov.u32 @p1 s10  }
0x1c7: {  	vm2 =	vle.s32 v17, v11;
	vm3 =	vle.s32 v14, v11;
	vm12 =	vle.s32 v18, v12;
	v55 =	vld [tilespmem:s9+$0x0]  }
0x1c8: {  	vm15 =	vle.s32 v21, v12;
	v16 =	vadd.s32 @p1 v25, v24;
	v14 =	vmpcnt.ones.xlane vm11  }
0x1c9: {  	v20 =	vadd.s32 @p1 v20, v22;
	v56 =	vmpcnt.ones.xlane vm3;
	v57 =	vmpcnt.ones.xlane vm1  }
0x1ca: {  	v58 =	vmpcnt.ones.xlane vm12;
	v59 =	vmpcnt.ones.xlane vm2;
	v15 =	vadd.s32 @p1 v26, v16  }
0x1cb: {  	v16 =	vadd.s32 @p1 v19, v20;
	v15 =	vpsel p1, v15, v13;
	vm13 =	vle.s32 v23, v12  }
.Ltmp13:
0x1cc: {  	v13 =	vpsel p1, v16, v13;
	v60 =	vmpcnt.ones.xlane vm13;
	vm14 =	vle.s32 v55, v12;
	(pc) =	sbr.rel .LBB2_19-.Ltmp13, $4  }
0x1cd: {  	v15 =	vadd.s32 v15, v58;
	v13 =	vadd.s32 v13, v59;
	v61 =	vmpcnt.ones.xlane vm14  }
0x1ce: {  	v62 =	vmpcnt.ones.xlane vm15;
	v13 =	vadd.s32 v56, v13;
	v15 =	vadd.s32 v60, v15  }
0x1cf: {  	v63 =	vadd.s32 v57, v13;
	v15 =	vadd.s32 v61, v15  }
0x1d0: {  	v14 =	vadd.s32 v14, v63;
	v13 =	vadd.s32 v62, v15  }
.LBB2_13:
.Ltmp14:
0x1d1: {  	(pc) =	sbr.rel .LBB2_18-.Ltmp14, $2  }
0x1d2: {  	_ =	sdelay $0x2  }
0x1d3: {  	s18 =	simm.s32 $0x1300  }
.LBB2_15:
.Ltmp15:
0x1d4: {  	_ = 	snop;
	(pc) =	sbr.rel .LBB2_18-.Ltmp15, $2  }
0x1d5: {  	_ =	sdelay $0x2  }
0x1d6: {  	s18 =	simm.s32 $0x1300;
	v21 =	vmov v23  }
.LBB2_23:
0x1d7: {  	_ =	sfence.sel $0x180000  }
0x1d8: {  	[bflag:$0x0] =	sbarrier.arrive $0xFFFF  }
0x1d9: {  	_ =	strace $0x90000047  }
0x1da: {  	s0 =	stileid.u32;
	[bflag:$0x2] =	sbarrier.arrive $0xFFFF  }
0x1db: {  	p0 =	sne.s32 s0, $0x0;
	s0 =	rddreg [dreg:$0x2]  }
0x1dc: {  	s0 =	sadd.s32 @!p0 $0x100000, s0  }
0x1dd: {  	[sflag:s0] =	ssyncadd.tile.s32 @!p0 $0x1;
	_ =	shalt  }
.Lfunc_end2:
_tile_overlayer_lowered:
.L_overlay_start_2:
0x1de: {  	(tag) =	ssettag $0x2  }
0x1df: {  	s0 =	rddreg [dreg:$0x0];
	s2 =	stileid.u32  }
0x1e0: {  	s1 =	rddreg [dreg:$0x1];
	p0 =	sne.s32 s2, $0x0  }
0x1e1: {  	s3 =	rddreg [dreg:$0x2];
	[bflag:$0x3] =	sbarrier.arrive $0xFFFF;
	s2 =	simm.s32 @!p0 $0x1C01  }
0x1e2: {  	[timem:s3], [sflag:s2] =	dma.local @!p0 [hbm:s0], s1  }
0x1e3: {  	s0 =	simm.s32 @!p0 $0x1  }
0x1e4: {  	_ =	swait.ge @!p0 [sflag:s0], s1  }
0x1e5: {  	s1 =	ssub.s32 @!p0 $0x0, s1;
	[sflag:s0] =	ssyncset.done @!p0 $0x0  }
0x1e6: {  	[sflag:s0] =	ssyncadd.s32 @!p0 s1  }
0x1e7: {  	[bflag:$0x3] =	sbarrier.arrive $0xFFFF  }
0x1e8: {  	_ =	shalt  }

</sc_bundles>
